<compile_context>
chip_gen: v7x
topology: tpu7x:2x2x1
jax: 0.10.2.dev20260603
libtpu: 0.0.44.dev20260713+nightly
codegen_flags: <defaults>
</compile_context>

<pallas_src>
import jax
import jax.numpy as jnp
from jax import lax
from jax.experimental import pallas as pl
from jax.experimental.pallas import tpu as pltpu
from jax.experimental.pallas import tpu_sc as plsc

N_HASHES = 2
N_HEADS = 8
PADDED = 4096
BLOCK = 64
DPH = 32
CDIM = 3
D = DPH + CDIM


SBINS = 256
SEG = PADDED // 16


def _sort_pass(keys_src, vals_src, keys_dst, vals_dst, cnt, shift, first):
    lane = lax.iota(jnp.int32, 16)

    zeros = jnp.zeros((16,), jnp.int32)

    def zero_body(t, c):
        plsc.store_scatter(cnt, [t * 16 + lane], zeros)
        return c
    lax.fori_loop(0, SBINS, zero_body, 0)

    def hist_body(t, c):
        idx = lane * SEG + t
        k = plsc.load_gather(keys_src, [idx])
        d = jnp.bitwise_and(lax.shift_right_logical(k, shift), SBINS - 1)
        ci = d * 16 + lane
        cur = plsc.load_gather(cnt, [ci])
        plsc.store_scatter(cnt, [ci], cur + 1)
        return c
    lax.fori_loop(0, SEG, hist_body, 0)

    def scan_body(t, run):
        ci = t * 16 + lane
        v = plsc.load_gather(cnt, [ci])
        s = plsc.cumsum(v)
        plsc.store_scatter(cnt, [ci], s - v + run)
        return run + jnp.sum(v, axis=0)
    lax.fori_loop(0, SBINS, scan_body, jnp.int32(0))

    def perm_body(t, c):
        idx = lane * SEG + t
        k = plsc.load_gather(keys_src, [idx])
        val = idx if first else plsc.load_gather(vals_src, [idx])
        d = jnp.bitwise_and(lax.shift_right_logical(k, shift), SBINS - 1)
        ci = d * 16 + lane
        o = plsc.load_gather(cnt, [ci])
        plsc.store_scatter(cnt, [ci], o + 1)
        plsc.store_scatter(keys_dst, [o], k)
        plsc.store_scatter(vals_dst, [o], val)
        return c
    lax.fori_loop(0, SEG, perm_body, 0)


def _sort_body(keys_hbm, pos_hbm, kf, keys_a, keys_b, vals_a, vals_b, cnt):
    wid = lax.axis_index("s") * 2 + lax.axis_index("c")
    pltpu.sync_copy(keys_hbm.at[wid], kf)
    lane = lax.iota(jnp.int32, 16)

    def xform_body(t, c):
        ci = t * 16 + lane
        x = plsc.load_gather(kf, [ci])
        bits = plsc.bitcast(x, jnp.int32)
        code = jnp.where(bits < 0, jnp.bitwise_not(bits),
                         jnp.bitwise_or(bits, jnp.int32(-2147483648)))
        plsc.store_scatter(keys_a, [ci], code)
        return c
    lax.fori_loop(0, PADDED // 16, xform_body, 0)

    _sort_pass(keys_a, vals_a, keys_b, vals_b, cnt, 0, True)
    _sort_pass(keys_b, vals_b, keys_a, vals_a, cnt, 8, False)
    _sort_pass(keys_a, vals_a, keys_b, vals_b, cnt, 16, False)
    _sort_pass(keys_b, vals_b, keys_a, vals_a, cnt, 24, False)
    pltpu.sync_copy(vals_a, pos_hbm.at[wid])


def _sort_stage(keys):
    run = pl.kernel(
        _sort_body,
        out_type=jax.ShapeDtypeStruct((NW, PADDED), jnp.int32),
        mesh=plsc.VectorSubcoreMesh(core_axis_name="c", subcore_axis_name="s",
                                    num_cores=2, num_subcores=16),
        compiler_params=pltpu.CompilerParams(use_tc_tiling_on_sc=False,
                                             needs_layout_passes=False),
        scratch_types=[
            pltpu.VMEM((PADDED,), jnp.float32),
            pltpu.VMEM((PADDED,), jnp.int32),
            pltpu.VMEM((PADDED,), jnp.int32),
            pltpu.VMEM((PADDED,), jnp.int32),
            pltpu.VMEM((PADDED,), jnp.int32),
            pltpu.VMEM((SBINS * 16,), jnp.int32),
        ],
    )
    return run(keys)


NW = 32
ROWS_PER_W = (N_HASHES * N_HEADS * PADDED) // NW
GCH = 1024
DPAD = 48


def _gather_body(q2d, k2d, v2d, qg, kg, sq, sk, sv,
                 idx_v, rows_qk, rows_v, sem):
    wid = lax.axis_index("s") * 2 + lax.axis_index("c")
    base = wid * ROWS_PER_W
    for c in range(ROWS_PER_W // GCH):
        off = base + c * GCH
        pltpu.sync_copy(qg.at[pl.ds(off, GCH)], idx_v)
        pltpu.async_copy(q2d.at[idx_v], rows_qk, sem).wait()
        pltpu.sync_copy(rows_qk, sq.at[pl.ds(off, GCH)])
    for c in range(ROWS_PER_W // GCH):
        off = base + c * GCH
        pltpu.sync_copy(kg.at[pl.ds(off, GCH)], idx_v)
        pltpu.async_copy(k2d.at[idx_v], rows_qk, sem).wait()
        pltpu.sync_copy(rows_qk, sk.at[pl.ds(off, GCH)])
        pltpu.async_copy(v2d.at[idx_v], rows_v, sem).wait()
        pltpu.sync_copy(rows_v, sv.at[pl.ds(off, GCH)])


def _gather_stage(query, key, value, q_pos, k_pos):
    pad = ((0, 0), (0, 0), (0, DPAD - D))
    q2d = jnp.pad(query, pad).reshape(N_HEADS * PADDED, DPAD)
    k2d = jnp.pad(key, pad).reshape(N_HEADS * PADDED, DPAD)
    v2d = value.reshape(N_HEADS * PADDED, DPH)
    head_off = (jnp.arange(N_HEADS, dtype=jnp.int32) * PADDED)[None, :, None]
    qg = (q_pos + head_off).reshape(-1)
    kg = (k_pos + head_off).reshape(-1)
    run = pl.kernel(
        _gather_body,
        out_type=[
            jax.ShapeDtypeStruct((N_HASHES * N_HEADS * PADDED, DPAD), jnp.float32),
            jax.ShapeDtypeStruct((N_HASHES * N_HEADS * PADDED, DPAD), jnp.float32),
            jax.ShapeDtypeStruct((N_HASHES * N_HEADS * PADDED, DPH), jnp.float32),
        ],
        mesh=plsc.VectorSubcoreMesh(core_axis_name="c", subcore_axis_name="s",
                                    num_cores=2, num_subcores=16),
        compiler_params=pltpu.CompilerParams(use_tc_tiling_on_sc=False),
        scratch_types=[
            pltpu.VMEM((GCH,), jnp.int32),
            pltpu.VMEM((GCH, DPAD), jnp.float32),
            pltpu.VMEM((GCH, DPH), jnp.float32),
            pltpu.SemaphoreType.DMA,
        ],
    )
    sq2d, sk2d, sv2d = run(q2d, k2d, v2d, qg, kg)
    shp = (N_HASHES, N_HEADS, PADDED)
    return (sq2d.reshape(shp + (DPAD,)), sk2d.reshape(shp + (DPAD,)),
            sv2d.reshape(shp + (DPH,)))


BLOCKS_PER_STEP = 16
ROWS_PER_STEP = BLOCKS_PER_STEP * BLOCK


def _attn_body(q_ref, k_ref, v_ref, o_ref):
    q = q_ref[0, 0].reshape(BLOCKS_PER_STEP, BLOCK, DPAD)
    k = k_ref[0, 0].reshape(BLOCKS_PER_STEP, BLOCK, DPAD)
    v = v_ref[0, 0].reshape(BLOCKS_PER_STEP, BLOCK, DPH)
    qn = jnp.sum(q * q, axis=-1)
    kn = jnp.sum(k * k, axis=-1)
    qk = jax.lax.dot_general(q, k, (((2,), (2,)), ((0,), (0,))),
                             preferred_element_type=jnp.float32, precision=jax.lax.Precision.HIGHEST)
    d2 = qn[:, :, None] + kn[:, None, :] - 2.0 * qk
    w = jnp.exp(-0.5 * d2)
    o = jax.lax.dot_general(w, v, (((2,), (1,)), ((0,), (0,))),
                            preferred_element_type=jnp.float32, precision=jax.lax.Precision.HIGHEST)
    o_ref[0, 0] = o


def _attn_stage(sq, sk, sv):
    n_steps = PADDED // ROWS_PER_STEP
    out = pl.pallas_call(
        _attn_body,
        grid=(N_HASHES, N_HEADS, n_steps),
        in_specs=[
            pl.BlockSpec((1, 1, ROWS_PER_STEP, DPAD), lambda a, h, b: (a, h, b, 0)),
            pl.BlockSpec((1, 1, ROWS_PER_STEP, DPAD), lambda a, h, b: (a, h, b, 0)),
            pl.BlockSpec((1, 1, ROWS_PER_STEP, DPH), lambda a, h, b: (a, h, b, 0)),
        ],
        out_specs=pl.BlockSpec((1, 1, BLOCKS_PER_STEP, BLOCK, DPH),
                               lambda a, h, b: (a, h, b, 0, 0)),
        out_shape=jax.ShapeDtypeStruct(
            (N_HASHES, N_HEADS, PADDED // BLOCK, BLOCK, DPH), jnp.float32),
    )(sq, sk, sv)
    return out


def kernel(query, key, value, combined_shifts, alpha):
    q_hashed = jnp.einsum('hpd,hdn->hpn', query, alpha).transpose(2, 0, 1)
    k_hashed = jnp.einsum('hpd,hdn->hpn', key, alpha).transpose(2, 0, 1)
    max_hash_shift = jnp.maximum(q_hashed.max(-1, keepdims=True),
                                 k_hashed.max(-1, keepdims=True))
    min_hash_shift = jnp.minimum(q_hashed.min(-1, keepdims=True),
                                 k_hashed.min(-1, keepdims=True))
    hash_shift = max_hash_shift - min_hash_shift
    cs = combined_shifts.astype(jnp.float32) * hash_shift
    q_keys = q_hashed + cs
    k_keys = k_hashed + cs
    all_keys = jnp.concatenate(
        [q_keys.reshape(-1, PADDED), k_keys.reshape(-1, PADDED)], axis=0)
    all_pos = _sort_stage(all_keys)
    q_pos = all_pos[:N_HASHES * N_HEADS].reshape(N_HASHES, N_HEADS, PADDED)
    k_pos = all_pos[N_HASHES * N_HEADS:].reshape(N_HASHES, N_HEADS, PADDED)
    sq, sk, sv = _gather_stage(query, key, value, q_pos, k_pos)
    return _attn_stage(sq, sk, sv)

# --- scband reference (transcript-rebuilt; emitter-appended) ---
"""Pipeline reference for scband-hept-48464410968554 (READ-ONLY COPY).

The authoritative reference and input builder live on the scoring server;
editing this copy changes nothing except your own understanding.
"""

import jax, jax.numpy as jnp
import numpy as np

N_HASHES = 2
N_HEADS = 8
PADDED = 4096
BLOCK = 64
DPH = 32
CDIM = 3
D = DPH + CDIM


def setup_inputs(seed: int = 0) -> dict:
    key = jax.random.key(seed)
    k1, k2, k3, k4, k5 = jax.random.split(key, 5)
    query = jax.random.normal(k1, (N_HEADS, PADDED, D), dtype=jnp.float32)
    key_t = jax.random.normal(k2, (N_HEADS, PADDED, D), dtype=jnp.float32)
    value = jax.random.normal(k3, (N_HEADS, PADDED, DPH), dtype=jnp.float32)
    combined_shifts = jax.random.randint(k4, (N_HASHES, N_HEADS, PADDED), 0, 8, dtype=jnp.int32)
    alpha = jax.random.normal(k5, (N_HEADS, D, N_HASHES), dtype=jnp.float32)
    return {"query": query, "key": key_t, "value": value, "combined_shifts": combined_shifts, "alpha": alpha}


def reference(query, key, value, combined_shifts, alpha):
    # hashing (torch does this under no_grad; pure fwd so irrelevant)
    q_hashed = jnp.einsum('hpd,hdn->hpn', query, alpha).transpose(2, 0, 1)  # (n_hashes, H, P)
    k_hashed = jnp.einsum('hpd,hdn->hpn', key, alpha).transpose(2, 0, 1)
    max_hash_shift = jnp.maximum(q_hashed.max(-1, keepdims=True), k_hashed.max(-1, keepdims=True))
    min_hash_shift = jnp.minimum(q_hashed.min(-1, keepdims=True), k_hashed.min(-1, keepdims=True))
    hash_shift = max_hash_shift - min_hash_shift
    cs = combined_shifts.astype(jnp.float32) * hash_shift
    q_hashed = q_hashed + cs
    k_hashed = k_hashed + cs
    q_positions = jnp.argsort(q_hashed, axis=-1)  # (n_hashes, H, P)
    k_positions = jnp.argsort(k_hashed, axis=-1)
    # gather sorted q / k / v
    q_exp = jnp.broadcast_to(query[None], (N_HASHES,) + query.shape)
    s_query = jnp.take_along_axis(q_exp, q_positions[..., None], axis=2)
    s_query = s_query.reshape(N_HASHES, N_HEADS, -1, BLOCK, D)
    k_exp = jnp.broadcast_to(key[None], (N_HASHES,) + key.shape)
    s_key = jnp.take_along_axis(k_exp, k_positions[..., None], axis=2)
    s_key = s_key.reshape(N_HASHES, N_HEADS, -1, BLOCK, D)
    v_exp = jnp.broadcast_to(value[None], (N_HASHES,) + value.shape)
    s_value = jnp.take_along_axis(v_exp, k_positions[..., None], axis=2)
    s_value = s_value.reshape(N_HASHES, N_HEADS, -1, BLOCK, DPH)
    # block-local kernel attention
    dist_sq = jnp.sum((s_query[..., :, None, :] - s_key[..., None, :, :]) ** 2, axis=-1)
    qk = jnp.exp(-0.5 * dist_sq)
    so = jnp.einsum('...ij,...jd->...id', qk, s_value)
    return so

if __name__ == "__main__":
    import jax
    _d = setup_inputs()
    print(jax.jit(kernel)(*tuple(_d.values())))

</pallas_src>

<mosaic_0001>
#map = affine_map<(d0, d1) -> (0, 0)>
#map1 = affine_map<(d0, d1) -> (0)>
module attributes {stable_mosaic.version = 14 : i64} {
  func.func @_gather_body(%arg0: i32, %arg1: i32, %arg2: memref<32768x48xf32, #tpu.memory_space<hbm>>, %arg3: memref<32768x48xf32, #tpu.memory_space<hbm>>, %arg4: memref<32768x32xf32, #tpu.memory_space<hbm>>, %arg5: memref<65536xi32, #tpu.memory_space<hbm>>, %arg6: memref<65536xi32, #tpu.memory_space<hbm>>, %arg7: memref<65536x48xf32, #tpu.memory_space<hbm>>, %arg8: memref<65536x48xf32, #tpu.memory_space<hbm>>, %arg9: memref<65536x32xf32, #tpu.memory_space<hbm>>, %arg10: memref<1024xi32, #tpu.memory_space<vmem>>, %arg11: memref<1024x48xf32, #tpu.memory_space<vmem>>, %arg12: memref<1024x32xf32, #tpu.memory_space<vmem>>, %arg13: memref<!tpu.dma_semaphore, #tpu.memory_space<semaphore_mem>>) attributes {dimension_semantics = [#tpu.dimension_semantics<core_parallel>, #tpu.dimension_semantics<subcore_parallel>], iteration_bounds = array<i64: 2, 16>, scalar_prefetch = 0 : i64, scratch_operands = 4 : i64, tpu.core_type = #tpu.core_type<sc_vector_subcore>, window_params = [{transform_indices = #map}, {transform_indices = #map}, {transform_indices = #map}, {transform_indices = #map1}, {transform_indices = #map1}, {transform_indices = #map}, {transform_indices = #map}, {transform_indices = #map}]} {
    %mul3A = arith.constant 2 : i32
    %mul3A_0 = arith.muli %arg1, %mul3A : i32
    %add3A = arith.addi %mul3A_0, %arg0 : i32
    %mul3A_1 = arith.constant 2048 : i32
    %mul3A_2 = arith.muli %add3A, %mul3A_1 : i32
    %add3A_3 = arith.constant 0 : i32
    %add3A_4 = arith.addi %mul3A_2, %add3A_3 : i32
    "tpu.region"() ({
      %run_scoped3A = tpu.sem_alloc : memref<!tpu.dma_semaphore, #tpu.memory_space<semaphore_mem>>
      %dma_start3A_45 = tpu.memref_slice %arg5[%add3A_4] : memref<65536xi32, #tpu.memory_space<hbm>> -> memref<1024xi32, #tpu.memory_space<hbm>>
      %dma_start3A_46 = tpu.memref_slice %arg5[%add3A_4] : memref<65536xi32, #tpu.memory_space<hbm>> -> memref<1024xi32, #tpu.memory_space<hbm>>
      tpu.enqueue_dma source(%dma_start3A_46 : memref<1024xi32, #tpu.memory_space<hbm>>) target(%arg10 : memref<1024xi32, #tpu.memory_space<vmem>>) target_semaphore(%run_scoped3A : memref<!tpu.dma_semaphore, #tpu.memory_space<semaphore_mem>>)
      %dma_wait3A_47 = tpu.memref_slice %arg5[%add3A_4] : memref<65536xi32, #tpu.memory_space<hbm>> -> memref<1024xi32, #tpu.memory_space<hbm>>
      %dma_wait3A_48 = tpu.memref_slice %arg5[%add3A_4] : memref<65536xi32, #tpu.memory_space<hbm>> -> memref<1024xi32, #tpu.memory_space<hbm>>
      tpu.wait_dma2 semaphore(%run_scoped3A : memref<!tpu.dma_semaphore, #tpu.memory_space<semaphore_mem>>) src(%dma_wait3A_48 : memref<1024xi32, #tpu.memory_space<hbm>>) dst(%arg10 : memref<1024xi32, #tpu.memory_space<vmem>>)
      tpu.yield
    }) : () -> ()
    %dma_start3A = arith.constant 0 : i32
    %dma_start3A_5 = arith.constant 0 : i32
    %dma_start3A_6 = tpu.memref_slice %arg2[%dma_start3A, %dma_start3A_5] : memref<32768x48xf32, #tpu.memory_space<hbm>> -> memref<32768x48xf32, #tpu.memory_space<hbm>>
    tpu.enqueue_indirect_dma source(%dma_start3A_6 : memref<32768x48xf32, #tpu.memory_space<hbm>>) target(%arg11 : memref<1024x48xf32, #tpu.memory_space<vmem>>) offsets(%arg10 : memref<1024xi32, #tpu.memory_space<vmem>>) semaphore(%arg13 : memref<!tpu.dma_semaphore, #tpu.memory_space<semaphore_mem>>)
    %dma_wait3A = arith.constant 0 : i32
    %dma_wait3A_7 = arith.constant 0 : i32
    %dma_wait3A_8 = tpu.memref_slice %arg2[%dma_wait3A, %dma_wait3A_7] : memref<32768x48xf32, #tpu.memory_space<hbm>> -> memref<32768x48xf32, #tpu.memory_space<hbm>>
    tpu.wait_indirect_dma semaphore(%arg13 : memref<!tpu.dma_semaphore, #tpu.memory_space<semaphore_mem>>) src(%dma_wait3A_8 : memref<32768x48xf32, #tpu.memory_space<hbm>>) dst(%arg11 : memref<1024x48xf32, #tpu.memory_space<vmem>>)
    "tpu.region"() ({
      %run_scoped3A = tpu.sem_alloc : memref<!tpu.dma_semaphore, #tpu.memory_space<semaphore_mem>>
      %dma_start3A_45 = arith.constant 0 : i32
      %dma_start3A_46 = tpu.memref_slice %arg7[%add3A_4, %dma_start3A_45] : memref<65536x48xf32, #tpu.memory_space<hbm>> -> memref<1024x48xf32, #tpu.memory_space<hbm>>
      %dma_start3A_47 = arith.constant 0 : i32
      %dma_start3A_48 = tpu.memref_slice %arg7[%add3A_4, %dma_start3A_47] : memref<65536x48xf32, #tpu.memory_space<hbm>> -> memref<1024x48xf32, #tpu.memory_space<hbm>>
      tpu.enqueue_dma source(%arg11 : memref<1024x48xf32, #tpu.memory_space<vmem>>) target(%dma_start3A_48 : memref<1024x48xf32, #tpu.memory_space<hbm>>) target_semaphore(%run_scoped3A : memref<!tpu.dma_semaphore, #tpu.memory_space<semaphore_mem>>)
      %dma_wait3A_49 = arith.constant 0 : i32
      %dma_wait3A_50 = tpu.memref_slice %arg7[%add3A_4, %dma_wait3A_49] : memref<65536x48xf32, #tpu.memory_space<hbm>> -> memref<1024x48xf32, #tpu.memory_space<hbm>>
      %dma_wait3A_51 = arith.constant 0 : i32
      %dma_wait3A_52 = tpu.memref_slice %arg7[%add3A_4, %dma_wait3A_51] : memref<65536x48xf32, #tpu.memory_space<hbm>> -> memref<1024x48xf32, #tpu.memory_space<hbm>>
      tpu.wait_dma2 semaphore(%run_scoped3A : memref<!tpu.dma_semaphore, #tpu.memory_space<semaphore_mem>>) src(%arg11 : memref<1024x48xf32, #tpu.memory_space<vmem>>) dst(%dma_wait3A_52 : memref<1024x48xf32, #tpu.memory_space<hbm>>)
      tpu.yield
    }) : () -> ()
    %add3A_9 = arith.constant 1024 : i32
    %add3A_10 = arith.addi %mul3A_2, %add3A_9 : i32
    "tpu.region"() ({
      %run_scoped3A = tpu.sem_alloc : memref<!tpu.dma_semaphore, #tpu.memory_space<semaphore_mem>>
      %dma_start3A_45 = tpu.memref_slice %arg5[%add3A_10] : memref<65536xi32, #tpu.memory_space<hbm>> -> memref<1024xi32, #tpu.memory_space<hbm>>
      %dma_start3A_46 = tpu.memref_slice %arg5[%add3A_10] : memref<65536xi32, #tpu.memory_space<hbm>> -> memref<1024xi32, #tpu.memory_space<hbm>>
      tpu.enqueue_dma source(%dma_start3A_46 : memref<1024xi32, #tpu.memory_space<hbm>>) target(%arg10 : memref<1024xi32, #tpu.memory_space<vmem>>) target_semaphore(%run_scoped3A : memref<!tpu.dma_semaphore, #tpu.memory_space<semaphore_mem>>)
      %dma_wait3A_47 = tpu.memref_slice %arg5[%add3A_10] : memref<65536xi32, #tpu.memory_space<hbm>> -> memref<1024xi32, #tpu.memory_space<hbm>>
      %dma_wait3A_48 = tpu.memref_slice %arg5[%add3A_10] : memref<65536xi32, #tpu.memory_space<hbm>> -> memref<1024xi32, #tpu.memory_space<hbm>>
      tpu.wait_dma2 semaphore(%run_scoped3A : memref<!tpu.dma_semaphore, #tpu.memory_space<semaphore_mem>>) src(%dma_wait3A_48 : memref<1024xi32, #tpu.memory_space<hbm>>) dst(%arg10 : memref<1024xi32, #tpu.memory_space<vmem>>)
      tpu.yield
    }) : () -> ()
    %dma_start3A_11 = arith.constant 0 : i32
    %dma_start3A_12 = arith.constant 0 : i32
    %dma_start3A_13 = tpu.memref_slice %arg2[%dma_start3A_11, %dma_start3A_12] : memref<32768x48xf32, #tpu.memory_space<hbm>> -> memref<32768x48xf32, #tpu.memory_space<hbm>>
    tpu.enqueue_indirect_dma source(%dma_start3A_13 : memref<32768x48xf32, #tpu.memory_space<hbm>>) target(%arg11 : memref<1024x48xf32, #tpu.memory_space<vmem>>) offsets(%arg10 : memref<1024xi32, #tpu.memory_space<vmem>>) semaphore(%arg13 : memref<!tpu.dma_semaphore, #tpu.memory_space<semaphore_mem>>)
    %dma_wait3A_14 = arith.constant 0 : i32
    %dma_wait3A_15 = arith.constant 0 : i32
    %dma_wait3A_16 = tpu.memref_slice %arg2[%dma_wait3A_14, %dma_wait3A_15] : memref<32768x48xf32, #tpu.memory_space<hbm>> -> memref<32768x48xf32, #tpu.memory_space<hbm>>
    tpu.wait_indirect_dma semaphore(%arg13 : memref<!tpu.dma_semaphore, #tpu.memory_space<semaphore_mem>>) src(%dma_wait3A_16 : memref<32768x48xf32, #tpu.memory_space<hbm>>) dst(%arg11 : memref<1024x48xf32, #tpu.memory_space<vmem>>)
    "tpu.region"() ({
      %run_scoped3A = tpu.sem_alloc : memref<!tpu.dma_semaphore, #tpu.memory_space<semaphore_mem>>
      %dma_start3A_45 = arith.constant 0 : i32
      %dma_start3A_46 = tpu.memref_slice %arg7[%add3A_10, %dma_start3A_45] : memref<65536x48xf32, #tpu.memory_space<hbm>> -> memref<1024x48xf32, #tpu.memory_space<hbm>>
      %dma_start3A_47 = arith.constant 0 : i32
      %dma_start3A_48 = tpu.memref_slice %arg7[%add3A_10, %dma_start3A_47] : memref<65536x48xf32, #tpu.memory_space<hbm>> -> memref<1024x48xf32, #tpu.memory_space<hbm>>
      tpu.enqueue_dma source(%arg11 : memref<1024x48xf32, #tpu.memory_space<vmem>>) target(%dma_start3A_48 : memref<1024x48xf32, #tpu.memory_space<hbm>>) target_semaphore(%run_scoped3A : memref<!tpu.dma_semaphore, #tpu.memory_space<semaphore_mem>>)
      %dma_wait3A_49 = arith.constant 0 : i32
      %dma_wait3A_50 = tpu.memref_slice %arg7[%add3A_10, %dma_wait3A_49] : memref<65536x48xf32, #tpu.memory_space<hbm>> -> memref<1024x48xf32, #tpu.memory_space<hbm>>
      %dma_wait3A_51 = arith.constant 0 : i32
      %dma_wait3A_52 = tpu.memref_slice %arg7[%add3A_10, %dma_wait3A_51] : memref<65536x48xf32, #tpu.memory_space<hbm>> -> memref<1024x48xf32, #tpu.memory_space<hbm>>
      tpu.wait_dma2 semaphore(%run_scoped3A : memref<!tpu.dma_semaphore, #tpu.memory_space<semaphore_mem>>) src(%arg11 : memref<1024x48xf32, #tpu.memory_space<vmem>>) dst(%dma_wait3A_52 : memref<1024x48xf32, #tpu.memory_space<hbm>>)
      tpu.yield
    }) : () -> ()
    %add3A_17 = arith.constant 0 : i32
    %add3A_18 = arith.addi %mul3A_2, %add3A_17 : i32
    "tpu.region"() ({
      %run_scoped3A = tpu.sem_alloc : memref<!tpu.dma_semaphore, #tpu.memory_space<semaphore_mem>>
      %dma_start3A_45 = tpu.memref_slice %arg6[%add3A_18] : memref<65536xi32, #tpu.memory_space<hbm>> -> memref<1024xi32, #tpu.memory_space<hbm>>
      %dma_start3A_46 = tpu.memref_slice %arg6[%add3A_18] : memref<65536xi32, #tpu.memory_space<hbm>> -> memref<1024xi32, #tpu.memory_space<hbm>>
      tpu.enqueue_dma source(%dma_start3A_46 : memref<1024xi32, #tpu.memory_space<hbm>>) target(%arg10 : memref<1024xi32, #tpu.memory_space<vmem>>) target_semaphore(%run_scoped3A : memref<!tpu.dma_semaphore, #tpu.memory_space<semaphore_mem>>)
      %dma_wait3A_47 = tpu.memref_slice %arg6[%add3A_18] : memref<65536xi32, #tpu.memory_space<hbm>> -> memref<1024xi32, #tpu.memory_space<hbm>>
      %dma_wait3A_48 = tpu.memref_slice %arg6[%add3A_18] : memref<65536xi32, #tpu.memory_space<hbm>> -> memref<1024xi32, #tpu.memory_space<hbm>>
      tpu.wait_dma2 semaphore(%run_scoped3A : memref<!tpu.dma_semaphore, #tpu.memory_space<semaphore_mem>>) src(%dma_wait3A_48 : memref<1024xi32, #tpu.memory_space<hbm>>) dst(%arg10 : memref<1024xi32, #tpu.memory_space<vmem>>)
      tpu.yield
    }) : () -> ()
    %dma_start3A_19 = arith.constant 0 : i32
    %dma_start3A_20 = arith.constant 0 : i32
    %dma_start3A_21 = tpu.memref_slice %arg3[%dma_start3A_19, %dma_start3A_20] : memref<32768x48xf32, #tpu.memory_space<hbm>> -> memref<32768x48xf32, #tpu.memory_space<hbm>>
    tpu.enqueue_indirect_dma source(%dma_start3A_21 : memref<32768x48xf32, #tpu.memory_space<hbm>>) target(%arg11 : memref<1024x48xf32, #tpu.memory_space<vmem>>) offsets(%arg10 : memref<1024xi32, #tpu.memory_space<vmem>>) semaphore(%arg13 : memref<!tpu.dma_semaphore, #tpu.memory_space<semaphore_mem>>)
    %dma_wait3A_22 = arith.constant 0 : i32
    %dma_wait3A_23 = arith.constant 0 : i32
    %dma_wait3A_24 = tpu.memref_slice %arg3[%dma_wait3A_22, %dma_wait3A_23] : memref<32768x48xf32, #tpu.memory_space<hbm>> -> memref<32768x48xf32, #tpu.memory_space<hbm>>
    tpu.wait_indirect_dma semaphore(%arg13 : memref<!tpu.dma_semaphore, #tpu.memory_space<semaphore_mem>>) src(%dma_wait3A_24 : memref<32768x48xf32, #tpu.memory_space<hbm>>) dst(%arg11 : memref<1024x48xf32, #tpu.memory_space<vmem>>)
    "tpu.region"() ({
      %run_scoped3A = tpu.sem_alloc : memref<!tpu.dma_semaphore, #tpu.memory_space<semaphore_mem>>
      %dma_start3A_45 = arith.constant 0 : i32
      %dma_start3A_46 = tpu.memref_slice %arg8[%add3A_18, %dma_start3A_45] : memref<65536x48xf32, #tpu.memory_space<hbm>> -> memref<1024x48xf32, #tpu.memory_space<hbm>>
      %dma_start3A_47 = arith.constant 0 : i32
      %dma_start3A_48 = tpu.memref_slice %arg8[%add3A_18, %dma_start3A_47] : memref<65536x48xf32, #tpu.memory_space<hbm>> -> memref<1024x48xf32, #tpu.memory_space<hbm>>
      tpu.enqueue_dma source(%arg11 : memref<1024x48xf32, #tpu.memory_space<vmem>>) target(%dma_start3A_48 : memref<1024x48xf32, #tpu.memory_space<hbm>>) target_semaphore(%run_scoped3A : memref<!tpu.dma_semaphore, #tpu.memory_space<semaphore_mem>>)
      %dma_wait3A_49 = arith.constant 0 : i32
      %dma_wait3A_50 = tpu.memref_slice %arg8[%add3A_18, %dma_wait3A_49] : memref<65536x48xf32, #tpu.memory_space<hbm>> -> memref<1024x48xf32, #tpu.memory_space<hbm>>
      %dma_wait3A_51 = arith.constant 0 : i32
      %dma_wait3A_52 = tpu.memref_slice %arg8[%add3A_18, %dma_wait3A_51] : memref<65536x48xf32, #tpu.memory_space<hbm>> -> memref<1024x48xf32, #tpu.memory_space<hbm>>
      tpu.wait_dma2 semaphore(%run_scoped3A : memref<!tpu.dma_semaphore, #tpu.memory_space<semaphore_mem>>) src(%arg11 : memref<1024x48xf32, #tpu.memory_space<vmem>>) dst(%dma_wait3A_52 : memref<1024x48xf32, #tpu.memory_space<hbm>>)
      tpu.yield
    }) : () -> ()
    %dma_start3A_25 = arith.constant 0 : i32
    %dma_start3A_26 = arith.constant 0 : i32
    %dma_start3A_27 = tpu.memref_slice %arg4[%dma_start3A_25, %dma_start3A_26] : memref<32768x32xf32, #tpu.memory_space<hbm>> -> memref<32768x32xf32, #tpu.memory_space<hbm>>
    tpu.enqueue_indirect_dma source(%dma_start3A_27 : memref<32768x32xf32, #tpu.memory_space<hbm>>) target(%arg12 : memref<1024x32xf32, #tpu.memory_space<vmem>>) offsets(%arg10 : memref<1024xi32, #tpu.memory_space<vmem>>) semaphore(%arg13 : memref<!tpu.dma_semaphore, #tpu.memory_space<semaphore_mem>>)
    %dma_wait3A_28 = arith.constant 0 : i32
    %dma_wait3A_29 = arith.constant 0 : i32
    %dma_wait3A_30 = tpu.memref_slice %arg4[%dma_wait3A_28, %dma_wait3A_29] : memref<32768x32xf32, #tpu.memory_space<hbm>> -> memref<32768x32xf32, #tpu.memory_space<hbm>>
    tpu.wait_indirect_dma semaphore(%arg13 : memref<!tpu.dma_semaphore, #tpu.memory_space<semaphore_mem>>) src(%dma_wait3A_30 : memref<32768x32xf32, #tpu.memory_space<hbm>>) dst(%arg12 : memref<1024x32xf32, #tpu.memory_space<vmem>>)
    "tpu.region"() ({
      %run_scoped3A = tpu.sem_alloc : memref<!tpu.dma_semaphore, #tpu.memory_space<semaphore_mem>>
      %dma_start3A_45 = arith.constant 0 : i32
      %dma_start3A_46 = tpu.memref_slice %arg9[%add3A_18, %dma_start3A_45] : memref<65536x32xf32, #tpu.memory_space<hbm>> -> memref<1024x32xf32, #tpu.memory_space<hbm>>
      %dma_start3A_47 = arith.constant 0 : i32
      %dma_start3A_48 = tpu.memref_slice %arg9[%add3A_18, %dma_start3A_47] : memref<65536x32xf32, #tpu.memory_space<hbm>> -> memref<1024x32xf32, #tpu.memory_space<hbm>>
      tpu.enqueue_dma source(%arg12 : memref<1024x32xf32, #tpu.memory_space<vmem>>) target(%dma_start3A_48 : memref<1024x32xf32, #tpu.memory_space<hbm>>) target_semaphore(%run_scoped3A : memref<!tpu.dma_semaphore, #tpu.memory_space<semaphore_mem>>)
      %dma_wait3A_49 = arith.constant 0 : i32
      %dma_wait3A_50 = tpu.memref_slice %arg9[%add3A_18, %dma_wait3A_49] : memref<65536x32xf32, #tpu.memory_space<hbm>> -> memref<1024x32xf32, #tpu.memory_space<hbm>>
      %dma_wait3A_51 = arith.constant 0 : i32
      %dma_wait3A_52 = tpu.memref_slice %arg9[%add3A_18, %dma_wait3A_51] : memref<65536x32xf32, #tpu.memory_space<hbm>> -> memref<1024x32xf32, #tpu.memory_space<hbm>>
      tpu.wait_dma2 semaphore(%run_scoped3A : memref<!tpu.dma_semaphore, #tpu.memory_space<semaphore_mem>>) src(%arg12 : memref<1024x32xf32, #tpu.memory_space<vmem>>) dst(%dma_wait3A_52 : memref<1024x32xf32, #tpu.memory_space<hbm>>)
      tpu.yield
    }) : () -> ()
    %add3A_31 = arith.constant 1024 : i32
    %add3A_32 = arith.addi %mul3A_2, %add3A_31 : i32
    "tpu.region"() ({
      %run_scoped3A = tpu.sem_alloc : memref<!tpu.dma_semaphore, #tpu.memory_space<semaphore_mem>>
      %dma_start3A_45 = tpu.memref_slice %arg6[%add3A_32] : memref<65536xi32, #tpu.memory_space<hbm>> -> memref<1024xi32, #tpu.memory_space<hbm>>
      %dma_start3A_46 = tpu.memref_slice %arg6[%add3A_32] : memref<65536xi32, #tpu.memory_space<hbm>> -> memref<1024xi32, #tpu.memory_space<hbm>>
      tpu.enqueue_dma source(%dma_start3A_46 : memref<1024xi32, #tpu.memory_space<hbm>>) target(%arg10 : memref<1024xi32, #tpu.memory_space<vmem>>) target_semaphore(%run_scoped3A : memref<!tpu.dma_semaphore, #tpu.memory_space<semaphore_mem>>)
      %dma_wait3A_47 = tpu.memref_slice %arg6[%add3A_32] : memref<65536xi32, #tpu.memory_space<hbm>> -> memref<1024xi32, #tpu.memory_space<hbm>>
      %dma_wait3A_48 = tpu.memref_slice %arg6[%add3A_32] : memref<65536xi32, #tpu.memory_space<hbm>> -> memref<1024xi32, #tpu.memory_space<hbm>>
      tpu.wait_dma2 semaphore(%run_scoped3A : memref<!tpu.dma_semaphore, #tpu.memory_space<semaphore_mem>>) src(%dma_wait3A_48 : memref<1024xi32, #tpu.memory_space<hbm>>) dst(%arg10 : memref<1024xi32, #tpu.memory_space<vmem>>)
      tpu.yield
    }) : () -> ()
    %dma_start3A_33 = arith.constant 0 : i32
    %dma_start3A_34 = arith.constant 0 : i32
    %dma_start3A_35 = tpu.memref_slice %arg3[%dma_start3A_33, %dma_start3A_34] : memref<32768x48xf32, #tpu.memory_space<hbm>> -> memref<32768x48xf32, #tpu.memory_space<hbm>>
    tpu.enqueue_indirect_dma source(%dma_start3A_35 : memref<32768x48xf32, #tpu.memory_space<hbm>>) target(%arg11 : memref<1024x48xf32, #tpu.memory_space<vmem>>) offsets(%arg10 : memref<1024xi32, #tpu.memory_space<vmem>>) semaphore(%arg13 : memref<!tpu.dma_semaphore, #tpu.memory_space<semaphore_mem>>)
    %dma_wait3A_36 = arith.constant 0 : i32
    %dma_wait3A_37 = arith.constant 0 : i32
    %dma_wait3A_38 = tpu.memref_slice %arg3[%dma_wait3A_36, %dma_wait3A_37] : memref<32768x48xf32, #tpu.memory_space<hbm>> -> memref<32768x48xf32, #tpu.memory_space<hbm>>
    tpu.wait_indirect_dma semaphore(%arg13 : memref<!tpu.dma_semaphore, #tpu.memory_space<semaphore_mem>>) src(%dma_wait3A_38 : memref<32768x48xf32, #tpu.memory_space<hbm>>) dst(%arg11 : memref<1024x48xf32, #tpu.memory_space<vmem>>)
    "tpu.region"() ({
      %run_scoped3A = tpu.sem_alloc : memref<!tpu.dma_semaphore, #tpu.memory_space<semaphore_mem>>
      %dma_start3A_45 = arith.constant 0 : i32
      %dma_start3A_46 = tpu.memref_slice %arg8[%add3A_32, %dma_start3A_45] : memref<65536x48xf32, #tpu.memory_space<hbm>> -> memref<1024x48xf32, #tpu.memory_space<hbm>>
      %dma_start3A_47 = arith.constant 0 : i32
      %dma_start3A_48 = tpu.memref_slice %arg8[%add3A_32, %dma_start3A_47] : memref<65536x48xf32, #tpu.memory_space<hbm>> -> memref<1024x48xf32, #tpu.memory_space<hbm>>
      tpu.enqueue_dma source(%arg11 : memref<1024x48xf32, #tpu.memory_space<vmem>>) target(%dma_start3A_48 : memref<1024x48xf32, #tpu.memory_space<hbm>>) target_semaphore(%run_scoped3A : memref<!tpu.dma_semaphore, #tpu.memory_space<semaphore_mem>>)
      %dma_wait3A_49 = arith.constant 0 : i32
      %dma_wait3A_50 = tpu.memref_slice %arg8[%add3A_32, %dma_wait3A_49] : memref<65536x48xf32, #tpu.memory_space<hbm>> -> memref<1024x48xf32, #tpu.memory_space<hbm>>
      %dma_wait3A_51 = arith.constant 0 : i32
      %dma_wait3A_52 = tpu.memref_slice %arg8[%add3A_32, %dma_wait3A_51] : memref<65536x48xf32, #tpu.memory_space<hbm>> -> memref<1024x48xf32, #tpu.memory_space<hbm>>
      tpu.wait_dma2 semaphore(%run_scoped3A : memref<!tpu.dma_semaphore, #tpu.memory_space<semaphore_mem>>) src(%arg11 : memref<1024x48xf32, #tpu.memory_space<vmem>>) dst(%dma_wait3A_52 : memref<1024x48xf32, #tpu.memory_space<hbm>>)
      tpu.yield
    }) : () -> ()
    %dma_start3A_39 = arith.constant 0 : i32
    %dma_start3A_40 = arith.constant 0 : i32
    %dma_start3A_41 = tpu.memref_slice %arg4[%dma_start3A_39, %dma_start3A_40] : memref<32768x32xf32, #tpu.memory_space<hbm>> -> memref<32768x32xf32, #tpu.memory_space<hbm>>
    tpu.enqueue_indirect_dma source(%dma_start3A_41 : memref<32768x32xf32, #tpu.memory_space<hbm>>) target(%arg12 : memref<1024x32xf32, #tpu.memory_space<vmem>>) offsets(%arg10 : memref<1024xi32, #tpu.memory_space<vmem>>) semaphore(%arg13 : memref<!tpu.dma_semaphore, #tpu.memory_space<semaphore_mem>>)
    %dma_wait3A_42 = arith.constant 0 : i32
    %dma_wait3A_43 = arith.constant 0 : i32
    %dma_wait3A_44 = tpu.memref_slice %arg4[%dma_wait3A_42, %dma_wait3A_43] : memref<32768x32xf32, #tpu.memory_space<hbm>> -> memref<32768x32xf32, #tpu.memory_space<hbm>>
    tpu.wait_indirect_dma semaphore(%arg13 : memref<!tpu.dma_semaphore, #tpu.memory_space<semaphore_mem>>) src(%dma_wait3A_44 : memref<32768x32xf32, #tpu.memory_space<hbm>>) dst(%arg12 : memref<1024x32xf32, #tpu.memory_space<vmem>>)
    "tpu.region"() ({
      %run_scoped3A = tpu.sem_alloc : memref<!tpu.dma_semaphore, #tpu.memory_space<semaphore_mem>>
      %dma_start3A_45 = arith.constant 0 : i32
      %dma_start3A_46 = tpu.memref_slice %arg9[%add3A_32, %dma_start3A_45] : memref<65536x32xf32, #tpu.memory_space<hbm>> -> memref<1024x32xf32, #tpu.memory_space<hbm>>
      %dma_start3A_47 = arith.constant 0 : i32
      %dma_start3A_48 = tpu.memref_slice %arg9[%add3A_32, %dma_start3A_47] : memref<65536x32xf32, #tpu.memory_space<hbm>> -> memref<1024x32xf32, #tpu.memory_space<hbm>>
      tpu.enqueue_dma source(%arg12 : memref<1024x32xf32, #tpu.memory_space<vmem>>) target(%dma_start3A_48 : memref<1024x32xf32, #tpu.memory_space<hbm>>) target_semaphore(%run_scoped3A : memref<!tpu.dma_semaphore, #tpu.memory_space<semaphore_mem>>)
      %dma_wait3A_49 = arith.constant 0 : i32
      %dma_wait3A_50 = tpu.memref_slice %arg9[%add3A_32, %dma_wait3A_49] : memref<65536x32xf32, #tpu.memory_space<hbm>> -> memref<1024x32xf32, #tpu.memory_space<hbm>>
      %dma_wait3A_51 = arith.constant 0 : i32
      %dma_wait3A_52 = tpu.memref_slice %arg9[%add3A_32, %dma_wait3A_51] : memref<65536x32xf32, #tpu.memory_space<hbm>> -> memref<1024x32xf32, #tpu.memory_space<hbm>>
      tpu.wait_dma2 semaphore(%run_scoped3A : memref<!tpu.dma_semaphore, #tpu.memory_space<semaphore_mem>>) src(%arg12 : memref<1024x32xf32, #tpu.memory_space<vmem>>) dst(%dma_wait3A_52 : memref<1024x32xf32, #tpu.memory_space<hbm>>)
      tpu.yield
    }) : () -> ()
    return
  }
}

#map = affine_map<(d0, d1) -> (0, 0)>
module attributes {stable_mosaic.version = 14 : i64} {
  func.func @_sort_body(%arg0: i32, %arg1: i32, %arg2: memref<32x4096xf32, #tpu.memory_space<hbm>>, %arg3: memref<32x4096xi32, #tpu.memory_space<hbm>>, %arg4: memref<4096xf32, #tpu.memory_space<vmem>>, %arg5: memref<4096xi32, #tpu.memory_space<vmem>>, %arg6: memref<4096xi32, #tpu.memory_space<vmem>>, %arg7: memref<4096xi32, #tpu.memory_space<vmem>>, %arg8: memref<4096xi32, #tpu.memory_space<vmem>>, %arg9: memref<4096xi32, #tpu.memory_space<vmem>>) attributes {dimension_semantics = [#tpu.dimension_semantics<core_parallel>, #tpu.dimension_semantics<subcore_parallel>], iteration_bounds = array<i64: 2, 16>, scalar_prefetch = 0 : i64, scratch_operands = 6 : i64, tpu.core_type = #tpu.core_type<sc_vector_subcore>, window_params = [{transform_indices = #map}, {transform_indices = #map}]} {
    %mul3A = arith.constant 2 : i32
    %mul3A_0 = arith.muli %arg1, %mul3A : i32
    %add3A = arith.addi %mul3A_0, %arg0 : i32
    "tpu.region"() ({
      %run_scoped3A = tpu.sem_alloc : memref<!tpu.dma_semaphore, #tpu.memory_space<semaphore_mem>>
      %dma_start3A = arith.constant 0 : i32
      %dma_start3A_117 = tpu.memref_slice %arg2[%add3A, %dma_start3A] : memref<32x4096xf32, #tpu.memory_space<hbm>> -> memref<1x4096xf32, #tpu.memory_space<hbm>>
      %dma_start3A_118 = tpu.memref_squeeze %dma_start3A_117 : memref<1x4096xf32, #tpu.memory_space<hbm>> -> memref<4096xf32, #tpu.memory_space<hbm>>
      %dma_start3A_119 = arith.constant 0 : i32
      %dma_start3A_120 = tpu.memref_slice %arg2[%add3A, %dma_start3A_119] : memref<32x4096xf32, #tpu.memory_space<hbm>> -> memref<1x4096xf32, #tpu.memory_space<hbm>>
      %dma_start3A_121 = tpu.memref_squeeze %dma_start3A_120 : memref<1x4096xf32, #tpu.memory_space<hbm>> -> memref<4096xf32, #tpu.memory_space<hbm>>
      tpu.enqueue_dma source(%dma_start3A_121 : memref<4096xf32, #tpu.memory_space<hbm>>) target(%arg4 : memref<4096xf32, #tpu.memory_space<vmem>>) target_semaphore(%run_scoped3A : memref<!tpu.dma_semaphore, #tpu.memory_space<semaphore_mem>>)
      %dma_wait3A = arith.constant 0 : i32
      %dma_wait3A_122 = tpu.memref_slice %arg2[%add3A, %dma_wait3A] : memref<32x4096xf32, #tpu.memory_space<hbm>> -> memref<1x4096xf32, #tpu.memory_space<hbm>>
      %dma_wait3A_123 = tpu.memref_squeeze %dma_wait3A_122 : memref<1x4096xf32, #tpu.memory_space<hbm>> -> memref<4096xf32, #tpu.memory_space<hbm>>
      %dma_wait3A_124 = arith.constant 0 : i32
      %dma_wait3A_125 = tpu.memref_slice %arg2[%add3A, %dma_wait3A_124] : memref<32x4096xf32, #tpu.memory_space<hbm>> -> memref<1x4096xf32, #tpu.memory_space<hbm>>
      %dma_wait3A_126 = tpu.memref_squeeze %dma_wait3A_125 : memref<1x4096xf32, #tpu.memory_space<hbm>> -> memref<4096xf32, #tpu.memory_space<hbm>>
      tpu.wait_dma2 semaphore(%run_scoped3A : memref<!tpu.dma_semaphore, #tpu.memory_space<semaphore_mem>>) src(%dma_wait3A_126 : memref<4096xf32, #tpu.memory_space<hbm>>) dst(%arg4 : memref<4096xf32, #tpu.memory_space<vmem>>)
      tpu.yield
    }) : () -> ()
    %iota3A = tpu.iota {dimensions = array<i32: 0>} : vector<16xi32>
    %scan3A = arith.constant 0 : i32
    %scan3A_1 = arith.constant 0 : i32
    %scan3A_2 = arith.constant 256 : i32
    %scan3A_3 = arith.addi %scan3A_1, %scan3A_2 : i32
    %scan3A_4 = arith.constant 1 : i32
    scf.for %scan3A_117 = %scan3A_1 to %scan3A_3 step %scan3A_4  : i32 {
      %mul3A_118 = arith.constant 16 : i32
      %mul3A_119 = arith.muli %scan3A_117, %mul3A_118 : i32
      %add3A_120 = vector.broadcast %mul3A_119 : i32 to vector<16xi32>
      %add3A_121 = arith.addi %add3A_120, %iota3A : vector<16xi32>
      %gather3A = tpu.vector_load_idx %arg4[%add3A_121] : memref<4096xf32, #tpu.memory_space<vmem>>[vector<16xi32>], vector<16xf32>,
      %bitcast3A = vector.bitcast %gather3A : vector<16xf32> to vector<16xi32>
      %lt3A = arith.constant 0 : i32
      %lt3A_122 = vector.broadcast %lt3A : i32 to vector<16xi32>
      %lt3A_123 = arith.cmpi slt, %bitcast3A, %lt3A_122 : vector<16xi32>
      %not3A = arith.constant dense<-1> : vector<16xi32>
      %not3A_124 = arith.xori %bitcast3A, %not3A : vector<16xi32>
      %or3A = arith.constant -2147483648 : i32
      %or3A_125 = vector.broadcast %or3A : i32 to vector<16xi32>
      %or3A_126 = arith.ori %bitcast3A, %or3A_125 : vector<16xi32>
      %select_n3A = arith.select %lt3A_123, %not3A_124, %or3A_126 : vector<16xi1>, vector<16xi32>
      tpu.vector_store_idx %arg5[%add3A_121], %select_n3A : memref<4096xi32, #tpu.memory_space<vmem>>[vector<16xi32>], vector<16xi32>,
    }
    %scan3A_5 = arith.constant 256 : i32
    %iota3A_6 = tpu.iota {dimensions = array<i32: 0>} : vector<16xi32>
    %broadcast_in_dim3A = arith.constant 0 : i32
    %broadcast_in_dim3A_7 = vector.broadcast %broadcast_in_dim3A : i32 to vector<16xi32>
    %scan3A_8 = arith.constant 0 : i32
    %scan3A_9 = arith.constant 0 : i32
    %scan3A_10 = arith.constant 256 : i32
    %scan3A_11 = arith.addi %scan3A_9, %scan3A_10 : i32
    %scan3A_12 = arith.constant 1 : i32
    scf.for %scan3A_117 = %scan3A_9 to %scan3A_11 step %scan3A_12  : i32 {
      %mul3A_118 = arith.constant 16 : i32
      %mul3A_119 = arith.muli %scan3A_117, %mul3A_118 : i32
      %add3A_120 = vector.broadcast %mul3A_119 : i32 to vector<16xi32>
      %add3A_121 = arith.addi %add3A_120, %iota3A_6 : vector<16xi32>
      tpu.vector_store_idx %arg9[%add3A_121], %broadcast_in_dim3A_7 : memref<4096xi32, #tpu.memory_space<vmem>>[vector<16xi32>], vector<16xi32>,
    }
    %scan3A_13 = arith.constant 256 : i32
    %scan3A_14 = arith.constant 0 : i32
    %scan3A_15 = arith.constant 0 : i32
    %scan3A_16 = arith.constant 256 : i32
    %scan3A_17 = arith.addi %scan3A_15, %scan3A_16 : i32
    %scan3A_18 = arith.constant 1 : i32
    scf.for %scan3A_117 = %scan3A_15 to %scan3A_17 step %scan3A_18  : i32 {
      %mul3A_118 = arith.constant 256 : i32
      %mul3A_119 = vector.broadcast %mul3A_118 : i32 to vector<16xi32>
      %mul3A_120 = arith.muli %iota3A_6, %mul3A_119 : vector<16xi32>
      %add3A_121 = vector.broadcast %scan3A_117 : i32 to vector<16xi32>
      %add3A_122 = arith.addi %mul3A_120, %add3A_121 : vector<16xi32>
      %gather3A = tpu.vector_load_idx %arg5[%add3A_122] : memref<4096xi32, #tpu.memory_space<vmem>>[vector<16xi32>], vector<16xi32>,
      %shift_right_logical3A = arith.constant 0 : i32
      %shift_right_logical3A_123 = vector.broadcast %shift_right_logical3A : i32 to vector<16xi32>
      %shift_right_logical3A_124 = arith.shrui %gather3A, %shift_right_logical3A_123 : vector<16xi32>
      %and3A = arith.constant 255 : i32
      %and3A_125 = vector.broadcast %and3A : i32 to vector<16xi32>
      %and3A_126 = arith.andi %shift_right_logical3A_124, %and3A_125 : vector<16xi32>
      %mul3A_127 = arith.constant 16 : i32
      %mul3A_128 = vector.broadcast %mul3A_127 : i32 to vector<16xi32>
      %mul3A_129 = arith.muli %and3A_126, %mul3A_128 : vector<16xi32>
      %add3A_130 = arith.addi %mul3A_129, %iota3A_6 : vector<16xi32>
      %gather3A_131 = tpu.vector_load_idx %arg9[%add3A_130] : memref<4096xi32, #tpu.memory_space<vmem>>[vector<16xi32>], vector<16xi32>,
      %add3A_132 = arith.constant 1 : i32
      %add3A_133 = vector.broadcast %add3A_132 : i32 to vector<16xi32>
      %add3A_134 = arith.addi %gather3A_131, %add3A_133 : vector<16xi32>
      tpu.vector_store_idx %arg9[%add3A_130], %add3A_134 : memref<4096xi32, #tpu.memory_space<vmem>>[vector<16xi32>], vector<16xi32>,
    }
    %scan3A_19 = arith.constant 256 : i32
    %scan3A_20 = arith.constant 0 : i32
    %scan3A_21 = arith.constant 0 : i32
    %scan3A_22 = arith.constant 256 : i32
    %scan3A_23 = arith.addi %scan3A_21, %scan3A_22 : i32
    %scan3A_24 = arith.constant 1 : i32
    %scan3A_25 = scf.for %scan3A_117 = %scan3A_21 to %scan3A_23 step %scan3A_24 iter_args(%scan3A_118 = %scan3A_20) -> (i32)  : i32 {
      %mul3A_119 = arith.constant 16 : i32
      %mul3A_120 = arith.muli %scan3A_117, %mul3A_119 : i32
      %add3A_121 = vector.broadcast %mul3A_120 : i32 to vector<16xi32>
      %add3A_122 = arith.addi %add3A_121, %iota3A_6 : vector<16xi32>
      %gather3A = tpu.vector_load_idx %arg9[%add3A_122] : memref<4096xi32, #tpu.memory_space<vmem>>[vector<16xi32>], vector<16xi32>,
      %broadcast_in_dim3A_123 = arith.constant true
      %broadcast_in_dim3A_124 = vector.broadcast %broadcast_in_dim3A_123 : i1 to vector<16xi1>
      %masked_cumsum3A = tpu.scan <sum>, %gather3A masked %broadcast_in_dim3A_124 : vector<16xi32>, vector<16xi1> -> vector<16xi32>
      %sub3A = arith.subi %masked_cumsum3A, %gather3A : vector<16xi32>
      %add3A_125 = vector.broadcast %scan3A_118 : i32 to vector<16xi32>
      %add3A_126 = arith.addi %sub3A, %add3A_125 : vector<16xi32>
      tpu.vector_store_idx %arg9[%add3A_122], %add3A_126 : memref<4096xi32, #tpu.memory_space<vmem>>[vector<16xi32>], vector<16xi32>,
      %reduce_sum3A = arith.constant true
      %reduce_sum3A_127 = vector.broadcast %reduce_sum3A : i1 to vector<16xi1>
      %reduce_sum3A_128 = tpu.scan <sum>, %gather3A masked %reduce_sum3A_127 : vector<16xi32>, vector<16xi1> -> vector<16xi32>
      %reduce_sum3A_129 = vector.extract %reduce_sum3A_128[15] : i32 from vector<16xi32>
      %add3A_130 = arith.addi %scan3A_118, %reduce_sum3A_129 : i32
      scf.yield %add3A_130 : i32
    }
    %scan3A_26 = arith.constant 256 : i32
    %scan3A_27 = arith.constant 0 : i32
    %scan3A_28 = arith.constant 0 : i32
    %scan3A_29 = arith.constant 256 : i32
    %scan3A_30 = arith.addi %scan3A_28, %scan3A_29 : i32
    %scan3A_31 = arith.constant 1 : i32
    scf.for %scan3A_117 = %scan3A_28 to %scan3A_30 step %scan3A_31  : i32 {
      %mul3A_118 = arith.constant 256 : i32
      %mul3A_119 = vector.broadcast %mul3A_118 : i32 to vector<16xi32>
      %mul3A_120 = arith.muli %iota3A_6, %mul3A_119 : vector<16xi32>
      %add3A_121 = vector.broadcast %scan3A_117 : i32 to vector<16xi32>
      %add3A_122 = arith.addi %mul3A_120, %add3A_121 : vector<16xi32>
      %gather3A = tpu.vector_load_idx %arg5[%add3A_122] : memref<4096xi32, #tpu.memory_space<vmem>>[vector<16xi32>], vector<16xi32>,
      %shift_right_logical3A = arith.constant 0 : i32
      %shift_right_logical3A_123 = vector.broadcast %shift_right_logical3A : i32 to vector<16xi32>
      %shift_right_logical3A_124 = arith.shrui %gather3A, %shift_right_logical3A_123 : vector<16xi32>
      %and3A = arith.constant 255 : i32
      %and3A_125 = vector.broadcast %and3A : i32 to vector<16xi32>
      %and3A_126 = arith.andi %shift_right_logical3A_124, %and3A_125 : vector<16xi32>
      %mul3A_127 = arith.constant 16 : i32
      %mul3A_128 = vector.broadcast %mul3A_127 : i32 to vector<16xi32>
      %mul3A_129 = arith.muli %and3A_126, %mul3A_128 : vector<16xi32>
      %add3A_130 = arith.addi %mul3A_129, %iota3A_6 : vector<16xi32>
      %gather3A_131 = tpu.vector_load_idx %arg9[%add3A_130] : memref<4096xi32, #tpu.memory_space<vmem>>[vector<16xi32>], vector<16xi32>,
      %add3A_132 = arith.constant 1 : i32
      %add3A_133 = vector.broadcast %add3A_132 : i32 to vector<16xi32>
      %add3A_134 = arith.addi %gather3A_131, %add3A_133 : vector<16xi32>
      tpu.vector_store_idx %arg9[%add3A_130], %add3A_134 : memref<4096xi32, #tpu.memory_space<vmem>>[vector<16xi32>], vector<16xi32>,
      tpu.vector_store_idx %arg6[%gather3A_131], %gather3A : memref<4096xi32, #tpu.memory_space<vmem>>[vector<16xi32>], vector<16xi32>,
      tpu.vector_store_idx %arg8[%gather3A_131], %add3A_122 : memref<4096xi32, #tpu.memory_space<vmem>>[vector<16xi32>], vector<16xi32>,
    }
    %scan3A_32 = arith.constant 256 : i32
    %iota3A_33 = tpu.iota {dimensions = array<i32: 0>} : vector<16xi32>
    %broadcast_in_dim3A_34 = arith.constant 0 : i32
    %broadcast_in_dim3A_35 = vector.broadcast %broadcast_in_dim3A_34 : i32 to vector<16xi32>
    %scan3A_36 = arith.constant 0 : i32
    %scan3A_37 = arith.constant 0 : i32
    %scan3A_38 = arith.constant 256 : i32
    %scan3A_39 = arith.addi %scan3A_37, %scan3A_38 : i32
    %scan3A_40 = arith.constant 1 : i32
    scf.for %scan3A_117 = %scan3A_37 to %scan3A_39 step %scan3A_40  : i32 {
      %mul3A_118 = arith.constant 16 : i32
      %mul3A_119 = arith.muli %scan3A_117, %mul3A_118 : i32
      %add3A_120 = vector.broadcast %mul3A_119 : i32 to vector<16xi32>
      %add3A_121 = arith.addi %add3A_120, %iota3A_33 : vector<16xi32>
      tpu.vector_store_idx %arg9[%add3A_121], %broadcast_in_dim3A_35 : memref<4096xi32, #tpu.memory_space<vmem>>[vector<16xi32>], vector<16xi32>,
    }
    %scan3A_41 = arith.constant 256 : i32
    %scan3A_42 = arith.constant 0 : i32
    %scan3A_43 = arith.constant 0 : i32
    %scan3A_44 = arith.constant 256 : i32
    %scan3A_45 = arith.addi %scan3A_43, %scan3A_44 : i32
    %scan3A_46 = arith.constant 1 : i32
    scf.for %scan3A_117 = %scan3A_43 to %scan3A_45 step %scan3A_46  : i32 {
      %mul3A_118 = arith.constant 256 : i32
      %mul3A_119 = vector.broadcast %mul3A_118 : i32 to vector<16xi32>
      %mul3A_120 = arith.muli %iota3A_33, %mul3A_119 : vector<16xi32>
      %add3A_121 = vector.broadcast %scan3A_117 : i32 to vector<16xi32>
      %add3A_122 = arith.addi %mul3A_120, %add3A_121 : vector<16xi32>
      %gather3A = tpu.vector_load_idx %arg6[%add3A_122] : memref<4096xi32, #tpu.memory_space<vmem>>[vector<16xi32>], vector<16xi32>,
      %shift_right_logical3A = arith.constant 8 : i32
      %shift_right_logical3A_123 = vector.broadcast %shift_right_logical3A : i32 to vector<16xi32>
      %shift_right_logical3A_124 = arith.shrui %gather3A, %shift_right_logical3A_123 : vector<16xi32>
      %and3A = arith.constant 255 : i32
      %and3A_125 = vector.broadcast %and3A : i32 to vector<16xi32>
      %and3A_126 = arith.andi %shift_right_logical3A_124, %and3A_125 : vector<16xi32>
      %mul3A_127 = arith.constant 16 : i32
      %mul3A_128 = vector.broadcast %mul3A_127 : i32 to vector<16xi32>
      %mul3A_129 = arith.muli %and3A_126, %mul3A_128 : vector<16xi32>
      %add3A_130 = arith.addi %mul3A_129, %iota3A_33 : vector<16xi32>
      %gather3A_131 = tpu.vector_load_idx %arg9[%add3A_130] : memref<4096xi32, #tpu.memory_space<vmem>>[vector<16xi32>], vector<16xi32>,
      %add3A_132 = arith.constant 1 : i32
      %add3A_133 = vector.broadcast %add3A_132 : i32 to vector<16xi32>
      %add3A_134 = arith.addi %gather3A_131, %add3A_133 : vector<16xi32>
      tpu.vector_store_idx %arg9[%add3A_130], %add3A_134 : memref<4096xi32, #tpu.memory_space<vmem>>[vector<16xi32>], vector<16xi32>,
    }
    %scan3A_47 = arith.constant 256 : i32
    %scan3A_48 = arith.constant 0 : i32
    %scan3A_49 = arith.constant 0 : i32
    %scan3A_50 = arith.constant 256 : i32
    %scan3A_51 = arith.addi %scan3A_49, %scan3A_50 : i32
    %scan3A_52 = arith.constant 1 : i32
    %scan3A_53 = scf.for %scan3A_117 = %scan3A_49 to %scan3A_51 step %scan3A_52 iter_args(%scan3A_118 = %scan3A_48) -> (i32)  : i32 {
      %mul3A_119 = arith.constant 16 : i32
      %mul3A_120 = arith.muli %scan3A_117, %mul3A_119 : i32
      %add3A_121 = vector.broadcast %mul3A_120 : i32 to vector<16xi32>
      %add3A_122 = arith.addi %add3A_121, %iota3A_33 : vector<16xi32>
      %gather3A = tpu.vector_load_idx %arg9[%add3A_122] : memref<4096xi32, #tpu.memory_space<vmem>>[vector<16xi32>], vector<16xi32>,
      %broadcast_in_dim3A_123 = arith.constant true
      %broadcast_in_dim3A_124 = vector.broadcast %broadcast_in_dim3A_123 : i1 to vector<16xi1>
      %masked_cumsum3A = tpu.scan <sum>, %gather3A masked %broadcast_in_dim3A_124 : vector<16xi32>, vector<16xi1> -> vector<16xi32>
      %sub3A = arith.subi %masked_cumsum3A, %gather3A : vector<16xi32>
      %add3A_125 = vector.broadcast %scan3A_118 : i32 to vector<16xi32>
      %add3A_126 = arith.addi %sub3A, %add3A_125 : vector<16xi32>
      tpu.vector_store_idx %arg9[%add3A_122], %add3A_126 : memref<4096xi32, #tpu.memory_space<vmem>>[vector<16xi32>], vector<16xi32>,
      %reduce_sum3A = arith.constant true
      %reduce_sum3A_127 = vector.broadcast %reduce_sum3A : i1 to vector<16xi1>
      %reduce_sum3A_128 = tpu.scan <sum>, %gather3A masked %reduce_sum3A_127 : vector<16xi32>, vector<16xi1> -> vector<16xi32>
      %reduce_sum3A_129 = vector.extract %reduce_sum3A_128[15] : i32 from vector<16xi32>
      %add3A_130 = arith.addi %scan3A_118, %reduce_sum3A_129 : i32
      scf.yield %add3A_130 : i32
    }
    %scan3A_54 = arith.constant 256 : i32
    %scan3A_55 = arith.constant 0 : i32
    %scan3A_56 = arith.constant 0 : i32
    %scan3A_57 = arith.constant 256 : i32
    %scan3A_58 = arith.addi %scan3A_56, %scan3A_57 : i32
    %scan3A_59 = arith.constant 1 : i32
    scf.for %scan3A_117 = %scan3A_56 to %scan3A_58 step %scan3A_59  : i32 {
      %mul3A_118 = arith.constant 256 : i32
      %mul3A_119 = vector.broadcast %mul3A_118 : i32 to vector<16xi32>
      %mul3A_120 = arith.muli %iota3A_33, %mul3A_119 : vector<16xi32>
      %add3A_121 = vector.broadcast %scan3A_117 : i32 to vector<16xi32>
      %add3A_122 = arith.addi %mul3A_120, %add3A_121 : vector<16xi32>
      %gather3A = tpu.vector_load_idx %arg6[%add3A_122] : memref<4096xi32, #tpu.memory_space<vmem>>[vector<16xi32>], vector<16xi32>,
      %gather3A_123 = tpu.vector_load_idx %arg8[%add3A_122] : memref<4096xi32, #tpu.memory_space<vmem>>[vector<16xi32>], vector<16xi32>,
      %shift_right_logical3A = arith.constant 8 : i32
      %shift_right_logical3A_124 = vector.broadcast %shift_right_logical3A : i32 to vector<16xi32>
      %shift_right_logical3A_125 = arith.shrui %gather3A, %shift_right_logical3A_124 : vector<16xi32>
      %and3A = arith.constant 255 : i32
      %and3A_126 = vector.broadcast %and3A : i32 to vector<16xi32>
      %and3A_127 = arith.andi %shift_right_logical3A_125, %and3A_126 : vector<16xi32>
      %mul3A_128 = arith.constant 16 : i32
      %mul3A_129 = vector.broadcast %mul3A_128 : i32 to vector<16xi32>
      %mul3A_130 = arith.muli %and3A_127, %mul3A_129 : vector<16xi32>
      %add3A_131 = arith.addi %mul3A_130, %iota3A_33 : vector<16xi32>
      %gather3A_132 = tpu.vector_load_idx %arg9[%add3A_131] : memref<4096xi32, #tpu.memory_space<vmem>>[vector<16xi32>], vector<16xi32>,
      %add3A_133 = arith.constant 1 : i32
      %add3A_134 = vector.broadcast %add3A_133 : i32 to vector<16xi32>
      %add3A_135 = arith.addi %gather3A_132, %add3A_134 : vector<16xi32>
      tpu.vector_store_idx %arg9[%add3A_131], %add3A_135 : memref<4096xi32, #tpu.memory_space<vmem>>[vector<16xi32>], vector<16xi32>,
      tpu.vector_store_idx %arg5[%gather3A_132], %gather3A : memref<4096xi32, #tpu.memory_space<vmem>>[vector<16xi32>], vector<16xi32>,
      tpu.vector_store_idx %arg7[%gather3A_132], %gather3A_123 : memref<4096xi32, #tpu.memory_space<vmem>>[vector<16xi32>], vector<16xi32>,
    }
    %scan3A_60 = arith.constant 256 : i32
    %iota3A_61 = tpu.iota {dimensions = array<i32: 0>} : vector<16xi32>
    %broadcast_in_dim3A_62 = arith.constant 0 : i32
    %broadcast_in_dim3A_63 = vector.broadcast %broadcast_in_dim3A_62 : i32 to vector<16xi32>
    %scan3A_64 = arith.constant 0 : i32
    %scan3A_65 = arith.constant 0 : i32
    %scan3A_66 = arith.constant 256 : i32
    %scan3A_67 = arith.addi %scan3A_65, %scan3A_66 : i32
    %scan3A_68 = arith.constant 1 : i32
    scf.for %scan3A_117 = %scan3A_65 to %scan3A_67 step %scan3A_68  : i32 {
      %mul3A_118 = arith.constant 16 : i32
      %mul3A_119 = arith.muli %scan3A_117, %mul3A_118 : i32
      %add3A_120 = vector.broadcast %mul3A_119 : i32 to vector<16xi32>
      %add3A_121 = arith.addi %add3A_120, %iota3A_61 : vector<16xi32>
      tpu.vector_store_idx %arg9[%add3A_121], %broadcast_in_dim3A_63 : memref<4096xi32, #tpu.memory_space<vmem>>[vector<16xi32>], vector<16xi32>,
    }
    %scan3A_69 = arith.constant 256 : i32
    %scan3A_70 = arith.constant 0 : i32
    %scan3A_71 = arith.constant 0 : i32
    %scan3A_72 = arith.constant 256 : i32
    %scan3A_73 = arith.addi %scan3A_71, %scan3A_72 : i32
    %scan3A_74 = arith.constant 1 : i32
    scf.for %scan3A_117 = %scan3A_71 to %scan3A_73 step %scan3A_74  : i32 {
      %mul3A_118 = arith.constant 256 : i32
      %mul3A_119 = vector.broadcast %mul3A_118 : i32 to vector<16xi32>
      %mul3A_120 = arith.muli %iota3A_61, %mul3A_119 : vector<16xi32>
      %add3A_121 = vector.broadcast %scan3A_117 : i32 to vector<16xi32>
      %add3A_122 = arith.addi %mul3A_120, %add3A_121 : vector<16xi32>
      %gather3A = tpu.vector_load_idx %arg5[%add3A_122] : memref<4096xi32, #tpu.memory_space<vmem>>[vector<16xi32>], vector<16xi32>,
      %shift_right_logical3A = arith.constant 16 : i32
      %shift_right_logical3A_123 = vector.broadcast %shift_right_logical3A : i32 to vector<16xi32>
      %shift_right_logical3A_124 = arith.shrui %gather3A, %shift_right_logical3A_123 : vector<16xi32>
      %and3A = arith.constant 255 : i32
      %and3A_125 = vector.broadcast %and3A : i32 to vector<16xi32>
      %and3A_126 = arith.andi %shift_right_logical3A_124, %and3A_125 : vector<16xi32>
      %mul3A_127 = arith.constant 16 : i32
      %mul3A_128 = vector.broadcast %mul3A_127 : i32 to vector<16xi32>
      %mul3A_129 = arith.muli %and3A_126, %mul3A_128 : vector<16xi32>
      %add3A_130 = arith.addi %mul3A_129, %iota3A_61 : vector<16xi32>
      %gather3A_131 = tpu.vector_load_idx %arg9[%add3A_130] : memref<4096xi32, #tpu.memory_space<vmem>>[vector<16xi32>], vector<16xi32>,
      %add3A_132 = arith.constant 1 : i32
      %add3A_133 = vector.broadcast %add3A_132 : i32 to vector<16xi32>
      %add3A_134 = arith.addi %gather3A_131, %add3A_133 : vector<16xi32>
      tpu.vector_store_idx %arg9[%add3A_130], %add3A_134 : memref<4096xi32, #tpu.memory_space<vmem>>[vector<16xi32>], vector<16xi32>,
    }
    %scan3A_75 = arith.constant 256 : i32
    %scan3A_76 = arith.constant 0 : i32
    %scan3A_77 = arith.constant 0 : i32
    %scan3A_78 = arith.constant 256 : i32
    %scan3A_79 = arith.addi %scan3A_77, %scan3A_78 : i32
    %scan3A_80 = arith.constant 1 : i32
    %scan3A_81 = scf.for %scan3A_117 = %scan3A_77 to %scan3A_79 step %scan3A_80 iter_args(%scan3A_118 = %scan3A_76) -> (i32)  : i32 {
      %mul3A_119 = arith.constant 16 : i32
      %mul3A_120 = arith.muli %scan3A_117, %mul3A_119 : i32
      %add3A_121 = vector.broadcast %mul3A_120 : i32 to vector<16xi32>
      %add3A_122 = arith.addi %add3A_121, %iota3A_61 : vector<16xi32>
      %gather3A = tpu.vector_load_idx %arg9[%add3A_122] : memref<4096xi32, #tpu.memory_space<vmem>>[vector<16xi32>], vector<16xi32>,
      %broadcast_in_dim3A_123 = arith.constant true
      %broadcast_in_dim3A_124 = vector.broadcast %broadcast_in_dim3A_123 : i1 to vector<16xi1>
      %masked_cumsum3A = tpu.scan <sum>, %gather3A masked %broadcast_in_dim3A_124 : vector<16xi32>, vector<16xi1> -> vector<16xi32>
      %sub3A = arith.subi %masked_cumsum3A, %gather3A : vector<16xi32>
      %add3A_125 = vector.broadcast %scan3A_118 : i32 to vector<16xi32>
      %add3A_126 = arith.addi %sub3A, %add3A_125 : vector<16xi32>
      tpu.vector_store_idx %arg9[%add3A_122], %add3A_126 : memref<4096xi32, #tpu.memory_space<vmem>>[vector<16xi32>], vector<16xi32>,
      %reduce_sum3A = arith.constant true
      %reduce_sum3A_127 = vector.broadcast %reduce_sum3A : i1 to vector<16xi1>
      %reduce_sum3A_128 = tpu.scan <sum>, %gather3A masked %reduce_sum3A_127 : vector<16xi32>, vector<16xi1> -> vector<16xi32>
      %reduce_sum3A_129 = vector.extract %reduce_sum3A_128[15] : i32 from vector<16xi32>
      %add3A_130 = arith.addi %scan3A_118, %reduce_sum3A_129 : i32
      scf.yield %add3A_130 : i32
    }
    %scan3A_82 = arith.constant 256 : i32
    %scan3A_83 = arith.constant 0 : i32
    %scan3A_84 = arith.constant 0 : i32
    %scan3A_85 = arith.constant 256 : i32
    %scan3A_86 = arith.addi %scan3A_84, %scan3A_85 : i32
    %scan3A_87 = arith.constant 1 : i32
    scf.for %scan3A_117 = %scan3A_84 to %scan3A_86 step %scan3A_87  : i32 {
      %mul3A_118 = arith.constant 256 : i32
      %mul3A_119 = vector.broadcast %mul3A_118 : i32 to vector<16xi32>
      %mul3A_120 = arith.muli %iota3A_61, %mul3A_119 : vector<16xi32>
      %add3A_121 = vector.broadcast %scan3A_117 : i32 to vector<16xi32>
      %add3A_122 = arith.addi %mul3A_120, %add3A_121 : vector<16xi32>
      %gather3A = tpu.vector_load_idx %arg5[%add3A_122] : memref<4096xi32, #tpu.memory_space<vmem>>[vector<16xi32>], vector<16xi32>,
      %gather3A_123 = tpu.vector_load_idx %arg7[%add3A_122] : memref<4096xi32, #tpu.memory_space<vmem>>[vector<16xi32>], vector<16xi32>,
      %shift_right_logical3A = arith.constant 16 : i32
      %shift_right_logical3A_124 = vector.broadcast %shift_right_logical3A : i32 to vector<16xi32>
      %shift_right_logical3A_125 = arith.shrui %gather3A, %shift_right_logical3A_124 : vector<16xi32>
      %and3A = arith.constant 255 : i32
      %and3A_126 = vector.broadcast %and3A : i32 to vector<16xi32>
      %and3A_127 = arith.andi %shift_right_logical3A_125, %and3A_126 : vector<16xi32>
      %mul3A_128 = arith.constant 16 : i32
      %mul3A_129 = vector.broadcast %mul3A_128 : i32 to vector<16xi32>
      %mul3A_130 = arith.muli %and3A_127, %mul3A_129 : vector<16xi32>
      %add3A_131 = arith.addi %mul3A_130, %iota3A_61 : vector<16xi32>
      %gather3A_132 = tpu.vector_load_idx %arg9[%add3A_131] : memref<4096xi32, #tpu.memory_space<vmem>>[vector<16xi32>], vector<16xi32>,
      %add3A_133 = arith.constant 1 : i32
      %add3A_134 = vector.broadcast %add3A_133 : i32 to vector<16xi32>
      %add3A_135 = arith.addi %gather3A_132, %add3A_134 : vector<16xi32>
      tpu.vector_store_idx %arg9[%add3A_131], %add3A_135 : memref<4096xi32, #tpu.memory_space<vmem>>[vector<16xi32>], vector<16xi32>,
      tpu.vector_store_idx %arg6[%gather3A_132], %gather3A : memref<4096xi32, #tpu.memory_space<vmem>>[vector<16xi32>], vector<16xi32>,
      tpu.vector_store_idx %arg8[%gather3A_132], %gather3A_123 : memref<4096xi32, #tpu.memory_space<vmem>>[vector<16xi32>], vector<16xi32>,
    }
    %scan3A_88 = arith.constant 256 : i32
    %iota3A_89 = tpu.iota {dimensions = array<i32: 0>} : vector<16xi32>
    %broadcast_in_dim3A_90 = arith.constant 0 : i32
    %broadcast_in_dim3A_91 = vector.broadcast %broadcast_in_dim3A_90 : i32 to vector<16xi32>
    %scan3A_92 = arith.constant 0 : i32
    %scan3A_93 = arith.constant 0 : i32
    %scan3A_94 = arith.constant 256 : i32
    %scan3A_95 = arith.addi %scan3A_93, %scan3A_94 : i32
    %scan3A_96 = arith.constant 1 : i32
    scf.for %scan3A_117 = %scan3A_93 to %scan3A_95 step %scan3A_96  : i32 {
      %mul3A_118 = arith.constant 16 : i32
      %mul3A_119 = arith.muli %scan3A_117, %mul3A_118 : i32
      %add3A_120 = vector.broadcast %mul3A_119 : i32 to vector<16xi32>
      %add3A_121 = arith.addi %add3A_120, %iota3A_89 : vector<16xi32>
      tpu.vector_store_idx %arg9[%add3A_121], %broadcast_in_dim3A_91 : memref<4096xi32, #tpu.memory_space<vmem>>[vector<16xi32>], vector<16xi32>,
    }
    %scan3A_97 = arith.constant 256 : i32
    %scan3A_98 = arith.constant 0 : i32
    %scan3A_99 = arith.constant 0 : i32
    %scan3A_100 = arith.constant 256 : i32
    %scan3A_101 = arith.addi %scan3A_99, %scan3A_100 : i32
    %scan3A_102 = arith.constant 1 : i32
    scf.for %scan3A_117 = %scan3A_99 to %scan3A_101 step %scan3A_102  : i32 {
      %mul3A_118 = arith.constant 256 : i32
      %mul3A_119 = vector.broadcast %mul3A_118 : i32 to vector<16xi32>
      %mul3A_120 = arith.muli %iota3A_89, %mul3A_119 : vector<16xi32>
      %add3A_121 = vector.broadcast %scan3A_117 : i32 to vector<16xi32>
      %add3A_122 = arith.addi %mul3A_120, %add3A_121 : vector<16xi32>
      %gather3A = tpu.vector_load_idx %arg6[%add3A_122] : memref<4096xi32, #tpu.memory_space<vmem>>[vector<16xi32>], vector<16xi32>,
      %shift_right_logical3A = arith.constant 24 : i32
      %shift_right_logical3A_123 = vector.broadcast %shift_right_logical3A : i32 to vector<16xi32>
      %shift_right_logical3A_124 = arith.shrui %gather3A, %shift_right_logical3A_123 : vector<16xi32>
      %and3A = arith.constant 255 : i32
      %and3A_125 = vector.broadcast %and3A : i32 to vector<16xi32>
      %and3A_126 = arith.andi %shift_right_logical3A_124, %and3A_125 : vector<16xi32>
      %mul3A_127 = arith.constant 16 : i32
      %mul3A_128 = vector.broadcast %mul3A_127 : i32 to vector<16xi32>
      %mul3A_129 = arith.muli %and3A_126, %mul3A_128 : vector<16xi32>
      %add3A_130 = arith.addi %mul3A_129, %iota3A_89 : vector<16xi32>
      %gather3A_131 = tpu.vector_load_idx %arg9[%add3A_130] : memref<4096xi32, #tpu.memory_space<vmem>>[vector<16xi32>], vector<16xi32>,
      %add3A_132 = arith.constant 1 : i32
      %add3A_133 = vector.broadcast %add3A_132 : i32 to vector<16xi32>
      %add3A_134 = arith.addi %gather3A_131, %add3A_133 : vector<16xi32>
      tpu.vector_store_idx %arg9[%add3A_130], %add3A_134 : memref<4096xi32, #tpu.memory_space<vmem>>[vector<16xi32>], vector<16xi32>,
    }
    %scan3A_103 = arith.constant 256 : i32
    %scan3A_104 = arith.constant 0 : i32
    %scan3A_105 = arith.constant 0 : i32
    %scan3A_106 = arith.constant 256 : i32
    %scan3A_107 = arith.addi %scan3A_105, %scan3A_106 : i32
    %scan3A_108 = arith.constant 1 : i32
    %scan3A_109 = scf.for %scan3A_117 = %scan3A_105 to %scan3A_107 step %scan3A_108 iter_args(%scan3A_118 = %scan3A_104) -> (i32)  : i32 {
      %mul3A_119 = arith.constant 16 : i32
      %mul3A_120 = arith.muli %scan3A_117, %mul3A_119 : i32
      %add3A_121 = vector.broadcast %mul3A_120 : i32 to vector<16xi32>
      %add3A_122 = arith.addi %add3A_121, %iota3A_89 : vector<16xi32>
      %gather3A = tpu.vector_load_idx %arg9[%add3A_122] : memref<4096xi32, #tpu.memory_space<vmem>>[vector<16xi32>], vector<16xi32>,
      %broadcast_in_dim3A_123 = arith.constant true
      %broadcast_in_dim3A_124 = vector.broadcast %broadcast_in_dim3A_123 : i1 to vector<16xi1>
      %masked_cumsum3A = tpu.scan <sum>, %gather3A masked %broadcast_in_dim3A_124 : vector<16xi32>, vector<16xi1> -> vector<16xi32>
      %sub3A = arith.subi %masked_cumsum3A, %gather3A : vector<16xi32>
      %add3A_125 = vector.broadcast %scan3A_118 : i32 to vector<16xi32>
      %add3A_126 = arith.addi %sub3A, %add3A_125 : vector<16xi32>
      tpu.vector_store_idx %arg9[%add3A_122], %add3A_126 : memref<4096xi32, #tpu.memory_space<vmem>>[vector<16xi32>], vector<16xi32>,
      %reduce_sum3A = arith.constant true
      %reduce_sum3A_127 = vector.broadcast %reduce_sum3A : i1 to vector<16xi1>
      %reduce_sum3A_128 = tpu.scan <sum>, %gather3A masked %reduce_sum3A_127 : vector<16xi32>, vector<16xi1> -> vector<16xi32>
      %reduce_sum3A_129 = vector.extract %reduce_sum3A_128[15] : i32 from vector<16xi32>
      %add3A_130 = arith.addi %scan3A_118, %reduce_sum3A_129 : i32
      scf.yield %add3A_130 : i32
    }
    %scan3A_110 = arith.constant 256 : i32
    %scan3A_111 = arith.constant 0 : i32
    %scan3A_112 = arith.constant 0 : i32
    %scan3A_113 = arith.constant 256 : i32
    %scan3A_114 = arith.addi %scan3A_112, %scan3A_113 : i32
    %scan3A_115 = arith.constant 1 : i32
    scf.for %scan3A_117 = %scan3A_112 to %scan3A_114 step %scan3A_115  : i32 {
      %mul3A_118 = arith.constant 256 : i32
      %mul3A_119 = vector.broadcast %mul3A_118 : i32 to vector<16xi32>
      %mul3A_120 = arith.muli %iota3A_89, %mul3A_119 : vector<16xi32>
      %add3A_121 = vector.broadcast %scan3A_117 : i32 to vector<16xi32>
      %add3A_122 = arith.addi %mul3A_120, %add3A_121 : vector<16xi32>
      %gather3A = tpu.vector_load_idx %arg6[%add3A_122] : memref<4096xi32, #tpu.memory_space<vmem>>[vector<16xi32>], vector<16xi32>,
      %gather3A_123 = tpu.vector_load_idx %arg8[%add3A_122] : memref<4096xi32, #tpu.memory_space<vmem>>[vector<16xi32>], vector<16xi32>,
      %shift_right_logical3A = arith.constant 24 : i32
      %shift_right_logical3A_124 = vector.broadcast %shift_right_logical3A : i32 to vector<16xi32>
      %shift_right_logical3A_125 = arith.shrui %gather3A, %shift_right_logical3A_124 : vector<16xi32>
      %and3A = arith.constant 255 : i32
      %and3A_126 = vector.broadcast %and3A : i32 to vector<16xi32>
      %and3A_127 = arith.andi %shift_right_logical3A_125, %and3A_126 : vector<16xi32>
      %mul3A_128 = arith.constant 16 : i32
      %mul3A_129 = vector.broadcast %mul3A_128 : i32 to vector<16xi32>
      %mul3A_130 = arith.muli %and3A_127, %mul3A_129 : vector<16xi32>
      %add3A_131 = arith.addi %mul3A_130, %iota3A_89 : vector<16xi32>
      %gather3A_132 = tpu.vector_load_idx %arg9[%add3A_131] : memref<4096xi32, #tpu.memory_space<vmem>>[vector<16xi32>], vector<16xi32>,
      %add3A_133 = arith.constant 1 : i32
      %add3A_134 = vector.broadcast %add3A_133 : i32 to vector<16xi32>
      %add3A_135 = arith.addi %gather3A_132, %add3A_134 : vector<16xi32>
      tpu.vector_store_idx %arg9[%add3A_131], %add3A_135 : memref<4096xi32, #tpu.memory_space<vmem>>[vector<16xi32>], vector<16xi32>,
      tpu.vector_store_idx %arg5[%gather3A_132], %gather3A : memref<4096xi32, #tpu.memory_space<vmem>>[vector<16xi32>], vector<16xi32>,
      tpu.vector_store_idx %arg7[%gather3A_132], %gather3A_123 : memref<4096xi32, #tpu.memory_space<vmem>>[vector<16xi32>], vector<16xi32>,
    }
    %scan3A_116 = arith.constant 256 : i32
    "tpu.region"() ({
      %run_scoped3A = tpu.sem_alloc : memref<!tpu.dma_semaphore, #tpu.memory_space<semaphore_mem>>
      %dma_start3A = arith.constant 0 : i32
      %dma_start3A_117 = tpu.memref_slice %arg3[%add3A, %dma_start3A] : memref<32x4096xi32, #tpu.memory_space<hbm>> -> memref<1x4096xi32, #tpu.memory_space<hbm>>
      %dma_start3A_118 = tpu.memref_squeeze %dma_start3A_117 : memref<1x4096xi32, #tpu.memory_space<hbm>> -> memref<4096xi32, #tpu.memory_space<hbm>>
      %dma_start3A_119 = arith.constant 0 : i32
      %dma_start3A_120 = tpu.memref_slice %arg3[%add3A, %dma_start3A_119] : memref<32x4096xi32, #tpu.memory_space<hbm>> -> memref<1x4096xi32, #tpu.memory_space<hbm>>
      %dma_start3A_121 = tpu.memref_squeeze %dma_start3A_120 : memref<1x4096xi32, #tpu.memory_space<hbm>> -> memref<4096xi32, #tpu.memory_space<hbm>>
      tpu.enqueue_dma source(%arg7 : memref<4096xi32, #tpu.memory_space<vmem>>) target(%dma_start3A_121 : memref<4096xi32, #tpu.memory_space<hbm>>) target_semaphore(%run_scoped3A : memref<!tpu.dma_semaphore, #tpu.memory_space<semaphore_mem>>)
      %dma_wait3A = arith.constant 0 : i32
      %dma_wait3A_122 = tpu.memref_slice %arg3[%add3A, %dma_wait3A] : memref<32x4096xi32, #tpu.memory_space<hbm>> -> memref<1x4096xi32, #tpu.memory_space<hbm>>
      %dma_wait3A_123 = tpu.memref_squeeze %dma_wait3A_122 : memref<1x4096xi32, #tpu.memory_space<hbm>> -> memref<4096xi32, #tpu.memory_space<hbm>>
      %dma_wait3A_124 = arith.constant 0 : i32
      %dma_wait3A_125 = tpu.memref_slice %arg3[%add3A, %dma_wait3A_124] : memref<32x4096xi32, #tpu.memory_space<hbm>> -> memref<1x4096xi32, #tpu.memory_space<hbm>>
      %dma_wait3A_126 = tpu.memref_squeeze %dma_wait3A_125 : memref<1x4096xi32, #tpu.memory_space<hbm>> -> memref<4096xi32, #tpu.memory_space<hbm>>
      tpu.wait_dma2 semaphore(%run_scoped3A : memref<!tpu.dma_semaphore, #tpu.memory_space<semaphore_mem>>) src(%arg7 : memref<4096xi32, #tpu.memory_space<vmem>>) dst(%dma_wait3A_126 : memref<4096xi32, #tpu.memory_space<hbm>>)
      tpu.yield
    }) : () -> ()
    return
  }
}

module attributes {stable_mosaic.version = 14 : i64} {
  func.func @_attn_body(%arg0: i32, %arg1: i32, %arg2: i32, %arg3: memref<1x1x1024x48xf32, #tpu.memory_space<vmem>>, %arg4: memref<1x1x1024x48xf32, #tpu.memory_space<vmem>>, %arg5: memref<1x1x1024x32xf32, #tpu.memory_space<vmem>>, %arg6: memref<1x1x16x64x32xf32, #tpu.memory_space<vmem>>) attributes {dimension_semantics = [#tpu.dimension_semantics<arbitrary>, #tpu.dimension_semantics<arbitrary>, #tpu.dimension_semantics<arbitrary>], iteration_bounds = array<i64: 2, 8, 4>, scalar_prefetch = 0 : i64, scratch_operands = 0 : i64, tpu.core_type = #tpu.core_type<tc>, window_params = [{transform_indices = @transform_0, window_bounds = array<i64: 1, 1, 1024, 48>}, {transform_indices = @transform_1, window_bounds = array<i64: 1, 1, 1024, 48>}, {transform_indices = @transform_2, window_bounds = array<i64: 1, 1, 1024, 32>}, {transform_indices = @transform_3, window_bounds = array<i64: 1, 1, 16, 64, 32>}]} {
    %get3A = arith.constant 0 : index
    %get3A_0 = arith.constant 0 : index
    %get3A_1 = arith.constant 0 : index
    %get3A_2 = arith.constant 0 : index
    %get3A_3 = vector.load %arg3[%get3A, %get3A_0, %get3A_1, %get3A_2] : memref<1x1x1024x48xf32, #tpu.memory_space<vmem>>, vector<1x1x1024x48xf32>
    %get3A_4 = vector.shape_cast %get3A_3 : vector<1x1x1024x48xf32> to vector<1024x48xf32>
    %reshape3A = vector.shape_cast %get3A_4 : vector<1024x48xf32> to vector<16x64x48xf32>
    %get3A_5 = arith.constant 0 : index
    %get3A_6 = arith.constant 0 : index
    %get3A_7 = arith.constant 0 : index
    %get3A_8 = arith.constant 0 : index
    %get3A_9 = vector.load %arg4[%get3A_5, %get3A_6, %get3A_7, %get3A_8] : memref<1x1x1024x48xf32, #tpu.memory_space<vmem>>, vector<1x1x1024x48xf32>
    %get3A_10 = vector.shape_cast %get3A_9 : vector<1x1x1024x48xf32> to vector<1024x48xf32>
    %reshape3A_11 = vector.shape_cast %get3A_10 : vector<1024x48xf32> to vector<16x64x48xf32>
    %get3A_12 = arith.constant 0 : index
    %get3A_13 = arith.constant 0 : index
    %get3A_14 = arith.constant 0 : index
    %get3A_15 = arith.constant 0 : index
    %get3A_16 = vector.load %arg5[%get3A_12, %get3A_13, %get3A_14, %get3A_15] : memref<1x1x1024x32xf32, #tpu.memory_space<vmem>>, vector<1x1x1024x32xf32>
    %get3A_17 = vector.shape_cast %get3A_16 : vector<1x1x1024x32xf32> to vector<1024x32xf32>
    %reshape3A_18 = vector.shape_cast %get3A_17 : vector<1024x32xf32> to vector<16x64x32xf32>
    %mul3A = arith.mulf %reshape3A, %reshape3A : vector<16x64x48xf32>
    %reduce_sum3A = arith.constant dense<0.000000e+00> : vector<16x64xf32>
    %reduce_sum3A_19 = vector.multi_reduction <add>, %mul3A, %reduce_sum3A [2] : vector<16x64x48xf32> to vector<16x64xf32>
    %mul3A_20 = arith.mulf %reshape3A_11, %reshape3A_11 : vector<16x64x48xf32>
    %reduce_sum3A_21 = arith.constant dense<0.000000e+00> : vector<16x64xf32>
    %reduce_sum3A_22 = vector.multi_reduction <add>, %mul3A_20, %reduce_sum3A_21 [2] : vector<16x64x48xf32> to vector<16x64xf32>
    %dot_general3A = arith.constant dense<0.000000e+00> : vector<16x64x64xf32>
    %dot_general3A_23 = tpu.matmul %reshape3A, %reshape3A_11, %dot_general3A {dimension_numbers = #tpu.dot_dimension_numbers<[2], [2], [1], [1], [0, 0, 0, 1, 1, 1], [0], [0]>, precision = #tpu.contract_precision<fp32>, transpose_lhs_hint = false} : vector<16x64x48xf32>, vector<16x64x48xf32>, vector<16x64x64xf32> -> vector<16x64x64xf32>
    %broadcast_in_dim3A = vector.shape_cast %reduce_sum3A_19 : vector<16x64xf32> to vector<16x64x1xf32>
    %broadcast_in_dim3A_24 = vector.shape_cast %reduce_sum3A_22 : vector<16x64xf32> to vector<16x1x64xf32>
    %add3A = vector.broadcast %broadcast_in_dim3A : vector<16x64x1xf32> to vector<16x64x64xf32>
    %add3A_25 = vector.broadcast %broadcast_in_dim3A_24 : vector<16x1x64xf32> to vector<16x64x64xf32>
    %add3A_26 = arith.addf %add3A, %add3A_25 : vector<16x64x64xf32>
    %mul3A_27 = arith.constant 2.000000e+00 : f32
    %mul3A_28 = vector.broadcast %mul3A_27 : f32 to vector<16x64x64xf32>
    %mul3A_29 = arith.mulf %mul3A_28, %dot_general3A_23 : vector<16x64x64xf32>
    %sub3A = arith.subf %add3A_26, %mul3A_29 : vector<16x64x64xf32>
    %mul3A_30 = arith.constant -5.000000e-01 : f32
    %mul3A_31 = vector.broadcast %mul3A_30 : f32 to vector<16x64x64xf32>
    %mul3A_32 = arith.mulf %mul3A_31, %sub3A : vector<16x64x64xf32>
    %exp3A = math.exp %mul3A_32 : vector<16x64x64xf32>
    %dot_general3A_33 = arith.constant dense<0.000000e+00> : vector<16x64x32xf32>
    %dot_general3A_34 = tpu.matmul %exp3A, %reshape3A_18, %dot_general3A_33 {dimension_numbers = #tpu.dot_dimension_numbers<[2], [1], [1], [2], [0, 0, 0, 1, 1, 2], [0], [0]>, precision = #tpu.contract_precision<fp32>, transpose_lhs_hint = false} : vector<16x64x64xf32>, vector<16x64x32xf32>, vector<16x64x32xf32> -> vector<16x64x32xf32>
    %swap3A = arith.constant 0 : index
    %swap3A_35 = arith.constant 0 : index
    %swap3A_36 = arith.constant 0 : index
    %swap3A_37 = arith.constant 0 : index
    %swap3A_38 = arith.constant 0 : index
    %swap3A_39 = vector.load %arg6[%swap3A, %swap3A_35, %swap3A_36, %swap3A_37, %swap3A_38] : memref<1x1x16x64x32xf32, #tpu.memory_space<vmem>>, vector<1x1x16x64x32xf32>
    %swap3A_40 = vector.shape_cast %swap3A_39 : vector<1x1x16x64x32xf32> to vector<16x64x32xf32>
    %swap3A_41 = vector.shape_cast %dot_general3A_34 : vector<16x64x32xf32> to vector<1x1x16x64x32xf32>
    tpu.vector_store %arg6[%swap3A, %swap3A_35, %swap3A_36, %swap3A_37, %swap3A_38], %swap3A_41 {strides = array<i32>} : memref<1x1x16x64x32xf32, #tpu.memory_space<vmem>>, vector<1x1x16x64x32xf32>,
    return
  }
  func.func @transform_0(%arg0: i32, %arg1: i32, %arg2: i32) -> (i32, i32, i32, i32) {
    %c0_i32 = arith.constant 0 : i32
    %c0_i32_0 = arith.constant 0 : i32
    return %arg0, %arg1, %arg2, %c0_i32 : i32, i32, i32, i32
  }
  func.func @transform_1(%arg0: i32, %arg1: i32, %arg2: i32) -> (i32, i32, i32, i32) {
    %c0_i32 = arith.constant 0 : i32
    %c0_i32_0 = arith.constant 0 : i32
    return %arg0, %arg1, %arg2, %c0_i32 : i32, i32, i32, i32
  }
  func.func @transform_2(%arg0: i32, %arg1: i32, %arg2: i32) -> (i32, i32, i32, i32) {
    %c0_i32 = arith.constant 0 : i32
    %c0_i32_0 = arith.constant 0 : i32
    return %arg0, %arg1, %arg2, %c0_i32 : i32, i32, i32, i32
  }
  func.func @transform_3(%arg0: i32, %arg1: i32, %arg2: i32) -> (i32, i32, i32, i32, i32) {
    %c0_i32 = arith.constant 0 : i32
    %c0_i32_0 = arith.constant 0 : i32
    %c0_i32_1 = arith.constant 0 : i32
    return %arg0, %arg1, %arg2, %c0_i32, %c0_i32_0 : i32, i32, i32, i32, i32
  }
}

</mosaic_0001>

<sc_bundles>
// kernel: kernel.5.cloned.1.call-start
scs
__scs_entry_jumppad:
0x0: {  	(pc) =	sbr.rel $0x88, $3  }
0x1: {  	(tag) =	ssettag $0x0;
	lr =	simm.s32 $0x1  }
0x2: {  	[smem:$0x3F9C] =	sst lr;
	_ =	strace $0xD0000000  }
0x3: {  	_ = 	snop  }
0x4: {  	_ = 	snop  }
0x5: {  	_ = 	snop  }
0x6: {  	_ = 	snop  }
0x7: {  	_ = 	snop  }
__scs_overlays_trampoline_lowered:
0x8: {  	[smem:$0x3FAB] =	sst s0  }
0x9: {  	[smem:$0x3FAC] =	sst s1  }
0xa: {  	[smem:$0x3FAD] =	sst s2  }
0xb: {  	[smem:$0x3FAE] =	sst s3  }
0xc: {  	[smem:$0x3FAF] =	sst s4  }
0xd: {  	[smem:$0x3FB0] =	sst s5  }
0xe: {  	[smem:$0x3FB1] =	sst s6  }
0xf: {  	[smem:$0x3FB2] =	sst s7  }
0x10: {  	[smem:$0x3FB3] =	sst s8  }
0x11: {  	[smem:$0x3FB4] =	sst s9;
	s0 =	simm.s32 @!p0 $0x0  }
0x12: {  	s1 =	sld [smem:$0x3F9A];
	s0 =	simm.s32 @p0 $0x1  }
0x13: {  	[smem:$0x3FB5] =	sst s0;
	s0 =	simm.s32 @!p1 $0x0  }
0x14: {  	s2 =	sld [smem:$0x3F99];
	s0 =	simm.s32 @p1 $0x1  }
0x15: {  	[smem:$0x3FB6] =	sst s0;
	s0 =	simm.s32 @!p2 $0x0  }
0x16: {  	s3 =	sld [smem:$0x3FDB];
	s0 =	simm.s32 @p2 $0x1  }
0x17: {  	s4 =	simm.s32 $0x1BF5;
	[smem:$0x3FB8] =	sst s0  }
0x18: {  	s0 =	sld [smem:$0x3F9B];
	_ =	swait.ge [sflag:s4], $0x0  }
0x19: {  	s7 =	sld [smem:$0x3F9C]  }
0x1a: {  	s8 =	sadd.s32 $0xFFFFE003, lr  }
0x1b: {  	s9 =	sadd.s32 $0xFFFFFEF7, lr;
	s5 =	simm.s32 $0xFFFFFFFF;
	p2 =	slt.u32 s8, $0xFFFFF086  }
0x1c: {  	p1 =	slt.u32 s9, $0xF7A;
	s5 =	simm.s32 @!p2 $0x0  }
0x1d: {  	s5 =	simm.s32 @p1 $0x1;
	p0 =	seq.s32 s7, s2  }
0x1e: {  	s7 =	smul.u32 @!p0 $0xF7A, s2;
	p2 =	seq.s32 @!p0 s5, $0x0  }
0x1f: {  	s9 =	smul.u32 $0xF7A, s1;
	s8 =	simm.s32 @!p0 $0x1BF5;
	p2 =	por !p2, p0  }
0x20: {  	[sflag:s8] =	ssyncset.s32 @!p0 $0xFFFFF086;
	s6 =	sadd.s32 @!p0 s3, s7;
	s7 =	simm.s32 @!p0 $0x108  }
0x21: {  	s3 =	sadd.s32 s3, s9;
	s6 =	sadd.s32 @!p0 $0x88, s6;
	s7 =	simm.s32 @p2 $0x1082  }
0x22: {  	[simem:s7], [sflag:s8] =	dma.local @!p0 [hbm:s6], $0xF7A  }
0x23: {  	s9 =	sor.u32 $0xD0000000, s2;
	s6 =	simm.s32 $0x108;
	_ =	swait.ge @!p0 [sflag:s8], $0x0  }
0x24: {  	s3 =	sadd.s32 $0x88, s3;
	s6 =	simm.s32 @!p1 $0x1082;
	[sflag:s4] =	ssyncset.s32 $0xFFFFF086  }
0x25: {  	[simem:s6], [sflag:s4] =	dma.local [hbm:s3], $0xF7A  }
0x26: {  	[smem:$0x3F9C] =	sst s1;
	(tag) =	ssettag s2;
	_ =	strace s9  }
0x27: {  	s1 =	sld [smem:$0x3FAC]  }
0x28: {  	s2 =	sld [smem:$0x3FAD]  }
0x29: {  	s4 =	sld [smem:$0x3FAF]  }
0x2a: {  	p0 =	seq.s32 s5, $0x0;
	s5 =	sld [smem:$0x3FB0]  }
0x2b: {  	s6 =	sld [smem:$0x3FB1]  }
0x2c: {  	s7 =	sld [smem:$0x3FB2]  }
0x2d: {  	s3 =	simm.s32 $0x108;
	s8 =	sld [smem:$0x3FB3]  }
0x2e: {  	s3 =	simm.s32 @!p0 $0x1082;
	s9 =	sld [smem:$0x3FB4]  }
0x2f: {  	lr =	sadd.s32 s0, s3;
	s0 =	sld [smem:$0x3FAB]  }
0x30: {  	s3 =	sld [smem:$0x3FAE]  }
0x31: {  	[smem:$0x3FB7] =	sst s10  }
0x32: {  	s10 =	sld [smem:$0x3FB5];
	_ =	sdelay $0x3  }
0x33: {  	p0 =	seq.s32 s10, $0x1;
	s10 =	sld [smem:$0x3FB7];
	_ =	sdelay $0x3  }
0x34: {  	[smem:$0x3FB7] =	sst s10  }
0x35: {  	s10 =	sld [smem:$0x3FB6];
	_ =	sdelay $0x3  }
0x36: {  	p1 =	seq.s32 s10, $0x1;
	s10 =	sld [smem:$0x3FB7];
	_ =	sdelay $0x3  }
0x37: {  	[smem:$0x3FB7] =	sst s10  }
0x38: {  	s10 =	sld [smem:$0x3FB8]  }
0x39: {  	_ = 	snop;
	(pc) =	sbr.ind lr, $3  }
0x3a: {  	_ = 	snop  }
0x3b: {  	_ = 	snop  }
0x3c: {  	p2 =	seq.s32 s10, $0x1;
	s10 =	sld [smem:$0x3FB7]  }
0x3d: {  	_ =	shalt  }
0x3e: {  	_ =	shalt  }
0x3f: {  	_ =	shalt  }
0x40: {  	_ =	shalt  }
0x41: {  	_ =	shalt  }
0x42: {  	_ =	shalt  }
0x43: {  	_ =	shalt  }
0x44: {  	_ =	shalt  }
0x45: {  	_ =	shalt  }
0x46: {  	_ =	shalt  }
0x47: {  	_ =	shalt  }
0x48: {  	_ =	shalt  }
0x49: {  	_ =	shalt  }
0x4a: {  	_ =	shalt  }
0x4b: {  	_ =	shalt  }
0x4c: {  	_ =	shalt  }
0x4d: {  	_ =	shalt  }
0x4e: {  	_ =	shalt  }
0x4f: {  	_ =	shalt  }
0x50: {  	_ =	shalt  }
0x51: {  	_ =	shalt  }
0x52: {  	_ =	shalt  }
0x53: {  	_ =	shalt  }
0x54: {  	_ =	shalt  }
0x55: {  	_ =	shalt  }
0x56: {  	_ =	shalt  }
0x57: {  	_ =	shalt  }
0x58: {  	_ =	shalt  }
0x59: {  	_ =	shalt  }
0x5a: {  	_ =	shalt  }
0x5b: {  	_ =	shalt  }
0x5c: {  	_ =	shalt  }
0x5d: {  	_ =	shalt  }
0x5e: {  	_ =	shalt  }
0x5f: {  	_ =	shalt  }
0x60: {  	_ =	shalt  }
0x61: {  	_ =	shalt  }
0x62: {  	_ =	shalt  }
0x63: {  	_ =	shalt  }
0x64: {  	_ =	shalt  }
0x65: {  	_ =	shalt  }
0x66: {  	_ =	shalt  }
0x67: {  	_ =	shalt  }
0x68: {  	_ =	shalt  }
0x69: {  	_ =	shalt  }
0x6a: {  	_ =	shalt  }
0x6b: {  	_ =	shalt  }
0x6c: {  	_ =	shalt  }
0x6d: {  	_ =	shalt  }
0x6e: {  	_ =	shalt  }
0x6f: {  	_ =	shalt  }
0x70: {  	_ =	shalt  }
0x71: {  	_ =	shalt  }
0x72: {  	_ =	shalt  }
0x73: {  	_ =	shalt  }
0x74: {  	_ =	shalt  }
0x75: {  	_ =	shalt  }
0x76: {  	_ =	shalt  }
0x77: {  	_ =	shalt  }
0x78: {  	_ =	shalt  }
0x79: {  	_ =	shalt  }
0x7a: {  	_ =	shalt  }
0x7b: {  	_ =	shalt  }
0x7c: {  	_ =	shalt  }
0x7d: {  	_ =	shalt  }
0x7e: {  	_ =	shalt  }
0x7f: {  	_ =	shalt  }
0x80: {  	_ =	shalt  }
0x81: {  	_ =	shalt  }
0x82: {  	_ =	shalt  }
0x83: {  	_ =	shalt  }
0x84: {  	_ =	shalt  }
0x85: {  	_ =	shalt  }
0x86: {  	_ =	shalt  }
0x87: {  	_ =	shalt  }
.Lfunc_end0:
.L_simem_size_0:
called_computation_lowered:
.L_overlay_start_0:
0x88: {  	s2 =	sld [smem:$0x3FD9]  }
0x89: {  	s3 =	sld [smem:$0x3FFE];
	_ =	sdelay $0x1  }
0x8a: {  	s1 =	srdreg.scid  }
0x8b: {  	s0 =	sand.u32 $0x1, s1  }
0x8c: {  	s16 =	sshll.u32 s0, $0xA;
	s2 =	sadd.s32 s3, s2  }
0x8d: {  	s2 =	sadd.s32 s2, s16  }
0x8e: {  	[smem:$0x3FC3] =	sst s2  }
0x8f: {  	_ = 	snop  }
0x90: {  	(tm) =	ssettm $0x1  }
0x91: {  	s17 =	sld [smem:$0x3FFB];
	_ =	sdelay $0x3  }
0x92: {  	_ =	strace s17  }
0x93: {  	s2 =	sld [smem:$0x3FFC];
	_ =	sdelay $0x3  }
0x94: {  	_ =	strace s2  }
0x95: {  	s2 =	sld [smem:$0x3FFD];
	_ =	sdelay $0x3  }
0x96: {  	_ =	strace s2  }
0x97: {  	_ =	strace $0x8FFFFFFF  }
0x98: {  	s18 =	sld [smem:$0x3FDB];
	_ =	sdelay $0x1  }
0x99: {  	s19 =	simm.s32 $_scs_section_size  }
0x9a: {  	s4 =	simm.s32 $_size__tile_overlayer_lowered;
	s5 =	simm.s32 $_tile_overlayer_lowered  }
0x9b: {  	s22 =	simm.s32 $0x1BFF;
	s21 =	sshll.u32 s5, $0x1;
	s2 =	sadd.s32 s19, s18  }
0x9c: {  	s6 =	simm.s32 $0x0;
	s20 =	sshll.u32 s4, $0x1;
	s4 =	sadd.s32 s21, s2  }
0x9d: {  	[timem:s6], [sflag:s22] =	dma.local [hbm:s4], s20  }
0x9e: {  	_ =	swait.ge [sflag:s22], s20  }
0x9f: {  	s3 =	ssub.s32 $0x0, s20;
	[sflag:s22] =	ssyncset.done $0x0  }
0xa0: {  	[sflag:s22] =	ssyncadd.s32 s3;
	_ =	sdelay $0x1  }
0xa1: {  	s23 =	simm.s32 $0x1B8B  }
0xa2: {  	_ =	swait.ge [sflag:s23], $0x1  }
0xa3: {  	[sflag:s23] =	ssyncset.done $0x0  }
0xa4: {  	s25 =	simm.s32 $0x1B8E;
	s24 =	sld [smem:$0x3FFE];
	[sflag:s23] =	ssyncadd.s32 $0xFFFFFFFF  }
0xa5: {  	s26 =	simm.s32 $execute0_lowered;
	[smem:$0x3FD2] =	sst s25  }
0xa6: {  	s4 =	sshll.u32 s26, $0x1;
	_ =	strace $0x80000046;
	[dreg:$0x1] =	wrdreg $0xFFFFFFFF  }
0xa7: {  	s28 =	simm.s32 $_size_execute0_lowered;
	s2 =	sadd.s32 s2, s4;
	[dreg:$0x0] =	wrdreg $0x0  }
0xa8: {  	s4 =	sshll.u32 s28, $0x1;
	[dreg:$0x2] =	wrdreg s2  }
0xa9: {  	[dreg:$0x3] =	wrdreg s4  }
0xaa: {  	[dreg:$0x4] =	wrdreg $0xC0  }
0xab: {  	_ =	task [dreg:s6], $0x5FFFF  }
0xac: {  	[dreg:$0x1] =	wrdreg $0xFFFFFFFF  }
0xad: {  	[dreg:$0x0] =	wrdreg $0x60  }
0xae: {  	[dreg:$0x2] =	wrdreg s24  }
0xaf: {  	[dreg:$0x3] =	wrdreg $0x9  }
0xb0: {  	_ =	task.clear_ibuf [dreg:s6], $0x4FFFF;
	_ =	strace $0x90000046  }
0xb1: {  	s29 =	simm.s32 $0x9;
	_ =	strace $0x80000048  }
0xb2: {  	_ =	swait.ge [sflag:s29], $0x1  }
0xb3: {  	[sflag:s29] =	ssyncadd.s32 $0xFFFFFFFF  }
0xb4: {  	_ =	strace $0x90000048  }
0xb5: {  	_ =	sfence  }
0xb6: {  	s30 =	sld [smem:$0x0];
	_ =	sdelay $0x2  }
0xb7: {  	s31 =	sshll.u32 s1, $0xD;
	s1 =	sshrl.u32 s1, $0x2  }
0xb8: {  	s3 =	sand.u32 $0x4000, s31;
	s1 =	sadd.s32 s1, s30  }
0xb9: {  	s0 =	sor.u32 s3, s0;
	s1 =	sshll.u32 s1, $0x11  }
0xba: {  	s0 =	sor.u32 s1, s0  }
0xbb: {  	s0 =	sadd.s32 $0x8F2B, s0  }
0xbc: {  	[sflag:s0] =	ssyncadd.remote.s32 $0x1  }
0xbd: {  	_ =	sfence.sel $0xFFFF  }
0xbe: {  	[dreg:$0x0] =	wrdreg $0xFFFFFFFF;
	(pc) =	sbr.abs _section_cstart, $3  }
0xbf: {  	[dreg:$0x1] =	wrdreg $0xFFFFFFFF  }
0xc0: {  	_ =	task.clear_ibuf [dreg:s6], $0x2FFFF;
	_ =	strace $0x9FFFFFFF  }
0xc1: {  	(tm) =	ssettm $0x7FFFFFFF  }
tec
execute0_lowered:
.L_overlay_start_1:
0x0: {  	(tag) =	ssettag $0x1  }
0x1: {  	s0 =	srdreg.scid  }
0x2: {  	s3 =	rddreg [dreg:$0x0];
	s1 =	stileid.u32;
	s2 =	simm.s32 $0x0  }
0x3: {  	s7 =	simm.s32 $0x1000;
	s8 =	simm.s32 $0x5000;
	s9 =	simm.s32 $0x2000  }
0x4: {  	s10 =	simm.s32 $0x4000;
	s11 =	simm.s32 $0x3000;
	s12 =	simm.s32 $0x0  }
0x5: {  	s4 =	sand.u32 $0x1, s0;
	s0 =	rddreg [dreg:$0x1];
	s5 =	sshll.u32 s1, $0xA  }
0x6: {  	[smem:$0x7FF] =	sst s2;
	s6 =	sshll.u32 s4, $0x9;
	s4 =	ssub.s32 $0x2, s4  }
0x7: {  	_ =	strace $0x80000047;
	s5 =	sor.u32 s6, s5;
	s30 =	sshrl.u32 s4, $0x1  }
0x8: {  	v0 =	vlaneseq.u32;
	s6 =	simm.s32 $0x1;
	s5 =	sadd.s32 s5, s3;
	s31 =	ssub.s32 s4, s30  }
0x9: {  	v1 =	vimm.s32 $0x0;
	v2 =	vmul.u32 $0x100, v0;
	v3 =	vor.u32 $0xFF8, v0;
	s3 =	sadd.s32 $0x1400, s5;
	s4 =	sadd.s32 $0x5400, s5;
	s5 =	smax.u32 s31, $0x1  }
.LBB2_1:
0xa: {  	v4 =	vor.u32 s2, v0  }
0xb: {  	[tilespmem:s2], [sflag:$0x1] =	stream.linear.gather [hbm4b:s3+s2], $0x1000, $0x38;
	[tilespmem:$0x6000] =	vst v63  }
0xc: {  	_ =	swait.ge [sflag:s6], $0x1000  }
0xd: {  	[sflag:s6] =	ssyncset.done $0x0  }
0xe: {  	[sflag:s6] =	ssyncadd.s32 $0xFFFFF000  }
0xf: {  	v6 =	vld.idx.msk [tilespmem:v4+s2+$0x0], $0xffff;
	_ =	sdelay $0x2  }
0x10: {  	s13 =	simm.s32 $0x10  }
0x11: {  	s14 =	simm.s32 $0x20;
	v5 =	vor.u32 s13, v0  }
.LBB2_2:
0x12: {  	p0 =	sne.s32 s14, $0xFF0;
	v7 =	vand.u32 $0x7FFFFFFF, v6  }
0x13: {  	vm0 =	vlt.s32 v6, $0x0;
	v6 =	vxor.u32 $0xFFFFFFFF, v6;
	v7 =	vxor.u32 $0x80000000, v7  }
0x14: {  	v6 =	vsel vm0, v6, v7  }
0x15: {  	s13 =	simm.s32 $0x0;
	[tilespmem:v4+s7+$0x0] =	vst.idx.msk $0xffff, v6;
	v4 =	vmov v5  }
0x16: {  	v6 =	vld.idx.msk [tilespmem:v5+s13+$0x0], $0xffff  }
.Ltmp0:
0x17: {  	(pc) =	sbr.rel @p0 .LBB2_2-.Ltmp0, $2  }
0x18: {  	_ =	sdelay $0x2  }
0x19: {  	v5 =	vor.u32 s14, v0;
	s14 =	sadd.s32 $0x10, s14  }
0x1a: {  	_ = 	snop  }
0x1b: {  	v7 =	vand.u32 $0x7FFFFFFF, v6  }
0x1c: {  	vm0 =	vlt.s32 v6, $0x0;
	v6 =	vxor.u32 $0xFFFFFFFF, v6;
	v7 =	vxor.u32 $0x80000000, v7  }
0x1d: {  	v6 =	vsel vm0, v6, v7  }
0x1e: {  	[tilespmem:v4+s7+$0x0] =	vst.idx.msk $0xffff, v6  }
0x1f: {  	v4 =	vld.idx.msk [tilespmem:v5+s13+$0x0], $0xffff;
	_ =	sdelay $0x2  }
0x20: {  	p0 =	por $0x1, $0x1  }
.Ltmp1:
0x21: {  	_ = 	snop;
	(pc) =	sbr.rel @!p0 .LBB2_5-.Ltmp1, $4  }
0x22: {  	v6 =	vand.u32 $0x7FFFFFFF, v4  }
0x23: {  	vm15 =	vlt.s32 v4, $0x0;
	v4 =	vxor.u32 $0xFFFFFFFF, v4;
	v6 =	vxor.u32 $0x80000000, v6  }
0x24: {  	v4 =	vsel vm15, v4, v6  }
0x25: {  	s14 =	simm.s32 $0x10;
	[tilespmem:v5+s7+$0x0] =	vst.idx.msk $0xffff, v4;
	v4 =	vor.u32 s13, v0  }
.LBB2_4:
0x26: {  	p0 =	sne.s32 s14, $0xFF0  }
.Ltmp2:
0x27: {  	_ = 	snop;
	(pc) =	sbr.rel @p0 .LBB2_4-.Ltmp2, $3  }
0x28: {  	_ =	sdelay $0x1  }
0x29: {  	[tilespmem:v4+s8+$0x0] =	vst.idx.msk $0xffff, v1;
	s15 =	smov.u32 s14;
	s14 =	sadd.s32 $0x10, s14  }
0x2a: {  	v4 =	vor.u32 s15, v0  }
.LBB2_5:
0x2b: {  	p1 =	por $0x1, $0x1  }
.Ltmp3:
0x2c: {  	_ = 	snop;
	(pc) =	sbr.rel @!p1 .LBB2_6-.Ltmp3, $2  }
0x2d: {  	_ =	sdelay $0x2  }
0x2e: {  	[tilespmem:v4+s8+$0x0] =	vst.idx.msk $0xffff, v1;
	v5 =	vor.u32 s13, v2;
	s13 =	simm.s32 $0x1;
	p0 =	por $0x0, $0x0  }
0x2f: {  	_ =	sdelay $0x3  }
0x30: {  	v4 =	vld.idx.msk [tilespmem:v5+s7+$0x0], $0xffff;
	_ =	sdelay $0x4  }
0x31: {  	v4 =	vshll.u32 v4, $0x4  }
0x32: {  	v4 =	vor.u32 v0, v4  }
0x33: {  	v4 =	vand.u32 v3, v4;
	_ =	sdelay $0x1  }
0x34: {  	p1 =	por $0x1, $0x1  }
.Ltmp4:
0x35: {  	_ = 	snop;
	(pc) =	sbr.rel @!p1 .LBB2_9-.Ltmp4, $3  }
0x36: {  	_ = 	snop  }
0x37: {  	v6 =	vld.idx.msk [tilespmem:v4+s8+$0x0], $0xffff;
	_ =	sdelay $0x1  }
0x38: {  	v5 =	vor.u32 s13, v2;
	s13 =	simm.s32 $0x2;
	p0 =	por $0x1, $0x1  }
.LBB2_8:
0x39: {  	p1 =	sne.s32 s13, $0xFF;
	_ =	sdelay $0x1  }
0x3a: {  	v6 =	vadd.s32 $0x1, v6  }
0x3b: {  	[tilespmem:v4+s8+$0x0] =	vst.idx.msk $0xffff, v6  }
0x3c: {  	v4 =	vld.idx.msk [tilespmem:v5+s7+$0x0], $0xffff;
	_ =	sdelay $0x5  }
0x3d: {  	v4 =	vshll.u32 v4, $0x4  }
0x3e: {  	v4 =	vor.u32 v0, v4  }
0x3f: {  	v4 =	vand.u32 v3, v4;
	_ =	sdelay $0x3  }
.Ltmp5:
0x40: {  	(pc) =	sbr.rel @p1 .LBB2_8-.Ltmp5, $2  }
0x41: {  	v6 =	vld.idx.msk [tilespmem:v4+s8+$0x0], $0xffff;
	_ =	sdelay $0x2  }
0x42: {  	v5 =	vor.u32 s13, v2;
	s13 =	sadd.s32 $0x1, s13  }
.LBB2_9:
0x43: {  	_ =	sdelay $0x2  }
0x44: {  	v6 =	vadd.s32 @p0 $0x1, v6  }
0x45: {  	[tilespmem:v4+s8+$0x0] =	vst.idx.msk @p0 $0xffff, v6  }
0x46: {  	v4 =	vld.idx.msk [tilespmem:v5+s7+$0x0], $0xffff;
	_ =	sdelay $0x4  }
0x47: {  	v4 =	vshll.u32 v4, $0x4  }
0x48: {  	v4 =	vor.u32 v0, v4  }
0x49: {  	v5 =	vand.u32 v3, v4;
	_ =	sdelay $0x4  }
0x4a: {  	v6 =	vld.idx.msk [tilespmem:v5+s8+$0x0], $0xffff  }
0x4b: {  	s13 =	simm.s32 $0x0  }
0x4c: {  	v4 =	vor.u32 s13, v0;
	_ =	sdelay $0x2  }
0x4d: {  	v6 =	vadd.s32 $0x1, v6  }
0x4e: {  	[tilespmem:v5+s8+$0x0] =	vst.idx.msk $0xffff, v6  }
0x4f: {  	v6 =	vld.idx.msk [tilespmem:v4+s8+$0x0], $0xffff;
	_ =	sdelay $0x4  }
0x50: {  	(xrf0) =	vadd.scan.msk.s32 $0xffff, v6;
	_ =	sdelay $0x4  }
0x51: {  	s14 =	simm.s32 $0x10  }
0x52: {  	s15 =	simm.s32 $0x20;
	v5 =	vor.u32 s14, v0;
	s14 =	simm.s32 $0x0;
	v7, _, _ =	vpop (xrf0)  }
.LBB2_10:
0x53: {  	p0 =	sne.s32 s15, $0xFF0;
	v6 =	vsub.s32 s14, v6;
	(v2sf) =	vpush v7, $0xF  }
0x54: {  	v6 =	vadd.s32 v7, v6  }
0x55: {  	[tilespmem:v4+s8+$0x0] =	vst.idx.msk $0xffff, v6;
	v4 =	vmov v5;
	_ =	sdelay $0x1  }
0x56: {  	v6 =	vld.idx.msk [tilespmem:v5+s8+$0x0], $0xffff;
	_ =	sdelay $0x5  }
0x57: {  	(xrf0) =	vadd.scan.msk.s32 $0xffff, v6;
	_ =	sdelay $0x1  }
.Ltmp6:
0x58: {  	(pc) =	sbr.rel @p0 .LBB2_10-.Ltmp6, $3  }
0x59: {  	_ =	sdelay $0x1  }
0x5a: {  	s16 =	spop (v2sf)  }
0x5b: {  	v5 =	vor.u32 s15, v0;
	s15 =	sadd.s32 $0x10, s15;
	v7, _, _ =	vpop (xrf0);
	s14 =	sadd.s32 s14, s16  }
0x5c: {  	(v2sf) =	vpush v7, $0xF;
	_ =	sdelay $0x2  }
0x5d: {  	v6 =	vsub.s32 s14, v6  }
0x5e: {  	v6 =	vadd.s32 v7, v6  }
0x5f: {  	[tilespmem:v4+s8+$0x0] =	vst.idx.msk $0xffff, v6  }
0x60: {  	v6 =	vld.idx.msk [tilespmem:v5+s8+$0x0], $0xffff;
	_ =	sdelay $0x4  }
0x61: {  	(xrf0) =	vadd.scan.msk.s32 $0xffff, v6;
	_ =	sdelay $0x3  }
0x62: {  	v4 =	vor.u32 s13, v2;
	s15 =	spop (v2sf)  }
0x63: {  	s29 =	sadd.s32 s14, s15  }
0x64: {  	v7, _, _ =	vpop (xrf0);
	v6 =	vsub.s32 s29, v6  }
0x65: {  	v6 =	vadd.s32 v7, v6  }
0x66: {  	[tilespmem:v5+s8+$0x0] =	vst.idx.msk $0xffff, v6  }
0x67: {  	v5 =	vld.idx.msk [tilespmem:v4+s7+$0x0], $0xffff;
	_ =	sdelay $0x2  }
0x68: {  	(v2sf) =	vpush v7, $0xF;
	_ =	sdelay $0x1  }
0x69: {  	v6 =	vshll.u32 v5, $0x4  }
0x6a: {  	v6 =	vor.u32 v0, v6  }
0x6b: {  	v7 =	vand.u32 v3, v6;
	_ =	sdelay $0x4  }
0x6c: {  	v8 =	vld.idx.msk [tilespmem:v7+s8+$0x0], $0xffff;
	_ =	sdelay $0x4  }
0x6d: {  	s30 =	simm.s32 $0x1  }
0x6e: {  	s13 =	simm.s32 $0x2;
	v6 =	vor.u32 s30, v2;
	s31 =	spop (v2sf);
	v9 =	vadd.s32 $0x1, v8  }
.LBB2_12:
0x6f: {  	p0 =	sne.s32 s13, $0xFF;
	[tilespmem:v7+s8+$0x0] =	vst.idx.msk $0xffff, v9  }
0x70: {  	[tilespmem:v8+s9+$0x0] =	vst.idx.msk $0xffff, v5  }
0x71: {  	[tilespmem:v8+s10+$0x0] =	vst.idx.msk $0xffff, v4;
	v4 =	vmov v6  }
0x72: {  	v5 =	vld.idx.msk [tilespmem:v6+s7+$0x0], $0xffff;
	_ =	sdelay $0x5  }
0x73: {  	v6 =	vshll.u32 v5, $0x4  }
0x74: {  	v6 =	vor.u32 v0, v6  }
0x75: {  	v7 =	vand.u32 v3, v6;
	_ =	sdelay $0x4  }
0x76: {  	v8 =	vld.idx.msk [tilespmem:v7+s8+$0x0], $0xffff;
	_ =	sdelay $0x1  }
.Ltmp7:
0x77: {  	(pc) =	sbr.rel @p0 .LBB2_12-.Ltmp7, $3  }
0x78: {  	_ =	sdelay $0x1  }
0x79: {  	v6 =	vor.u32 s13, v2  }
0x7a: {  	s13 =	sadd.s32 $0x1, s13;
	v9 =	vadd.s32 $0x1, v8  }
0x7b: {  	_ =	sdelay $0x3  }
0x7c: {  	[tilespmem:v7+s8+$0x0] =	vst.idx.msk $0xffff, v9  }
0x7d: {  	[tilespmem:v8+s9+$0x0] =	vst.idx.msk $0xffff, v5  }
0x7e: {  	[tilespmem:v8+s10+$0x0] =	vst.idx.msk $0xffff, v4  }
0x7f: {  	v4 =	vld.idx.msk [tilespmem:v6+s7+$0x0], $0xffff;
	_ =	sdelay $0x4  }
0x80: {  	v5 =	vshll.u32 v4, $0x4  }
0x81: {  	v5 =	vor.u32 v0, v5  }
0x82: {  	v5 =	vand.u32 v3, v5;
	_ =	sdelay $0x4  }
0x83: {  	v7 =	vld.idx.msk [tilespmem:v5+s8+$0x0], $0xffff;
	_ =	sdelay $0x5  }
0x84: {  	v63 =	vadd.s32 $0x1, v7  }
0x85: {  	[tilespmem:v5+s8+$0x0] =	vst.idx.msk $0xffff, v63  }
0x86: {  	s13 =	simm.s32 $0x0;
	[tilespmem:v7+s9+$0x0] =	vst.idx.msk $0xffff, v4  }
0x87: {  	s14 =	simm.s32 $0x10;
	v4 =	vor.u32 s13, v0;
	[tilespmem:v7+s10+$0x0] =	vst.idx.msk $0xffff, v6  }
.LBB2_14:
0x88: {  	p0 =	sne.s32 s14, $0xFF0  }
.Ltmp8:
0x89: {  	_ = 	snop;
	(pc) =	sbr.rel @p0 .LBB2_14-.Ltmp8, $3  }
0x8a: {  	_ =	sdelay $0x1  }
0x8b: {  	[tilespmem:v4+s8+$0x0] =	vst.idx.msk $0xffff, v1;
	s15 =	smov.u32 s14;
	s14 =	sadd.s32 $0x10, s14  }
0x8c: {  	v4 =	vor.u32 s15, v0  }
0x8d: {  	v5 =	vor.u32 s13, v2;
	_ =	sdelay $0x3  }
0x8e: {  	[tilespmem:v4+s8+$0x0] =	vst.idx.msk $0xffff, v1  }
0x8f: {  	v4 =	vld.idx.msk [tilespmem:v5+s9+$0x0], $0xffff;
	_ =	sdelay $0x4  }
0x90: {  	v4 =	vshrl.u32 v4, $0x4  }
0x91: {  	v4 =	vand.u32 $0xFF0, v4  }
0x92: {  	v4 =	vor.u32 v0, v4;
	_ =	sdelay $0x4  }
0x93: {  	v6 =	vld.idx.msk [tilespmem:v4+s8+$0x0], $0xffff  }
0x94: {  	s31 =	simm.s32 $0x1  }
0x95: {  	s13 =	simm.s32 $0x2;
	v5 =	vor.u32 s31, v2  }
.LBB2_16:
0x96: {  	p0 =	sne.s32 s13, $0xFF;
	_ =	sdelay $0x1  }
0x97: {  	v6 =	vadd.s32 $0x1, v6  }
0x98: {  	[tilespmem:v4+s8+$0x0] =	vst.idx.msk $0xffff, v6  }
0x99: {  	v4 =	vld.idx.msk [tilespmem:v5+s9+$0x0], $0xffff;
	_ =	sdelay $0x5  }
0x9a: {  	v4 =	vshrl.u32 v4, $0x4  }
0x9b: {  	v4 =	vand.u32 $0xFF0, v4  }
0x9c: {  	v4 =	vor.u32 v0, v4;
	_ =	sdelay $0x3  }
.Ltmp9:
0x9d: {  	(pc) =	sbr.rel @p0 .LBB2_16-.Ltmp9, $2  }
0x9e: {  	v6 =	vld.idx.msk [tilespmem:v4+s8+$0x0], $0xffff;
	_ =	sdelay $0x2  }
0x9f: {  	v5 =	vor.u32 s13, v2;
	s13 =	sadd.s32 $0x1, s13  }
0xa0: {  	_ =	sdelay $0x2  }
0xa1: {  	v6 =	vadd.s32 $0x1, v6  }
0xa2: {  	[tilespmem:v4+s8+$0x0] =	vst.idx.msk $0xffff, v6  }
0xa3: {  	v4 =	vld.idx.msk [tilespmem:v5+s9+$0x0], $0xffff;
	_ =	sdelay $0x4  }
0xa4: {  	v4 =	vshrl.u32 v4, $0x4  }
0xa5: {  	v4 =	vand.u32 $0xFF0, v4  }
0xa6: {  	v5 =	vor.u32 v0, v4;
	_ =	sdelay $0x4  }
0xa7: {  	v6 =	vld.idx.msk [tilespmem:v5+s8+$0x0], $0xffff  }
0xa8: {  	s13 =	simm.s32 $0x0  }
0xa9: {  	v4 =	vor.u32 s13, v0;
	_ =	sdelay $0x2  }
0xaa: {  	v6 =	vadd.s32 $0x1, v6  }
0xab: {  	[tilespmem:v5+s8+$0x0] =	vst.idx.msk $0xffff, v6  }
0xac: {  	v6 =	vld.idx.msk [tilespmem:v4+s8+$0x0], $0xffff;
	_ =	sdelay $0x4  }
0xad: {  	(xrf0) =	vadd.scan.msk.s32 $0xffff, v6;
	_ =	sdelay $0x4  }
0xae: {  	s14 =	simm.s32 $0x10  }
0xaf: {  	s15 =	simm.s32 $0x20;
	v5 =	vor.u32 s14, v0;
	s14 =	simm.s32 $0x0;
	v7, _, _ =	vpop (xrf0)  }
.LBB2_18:
0xb0: {  	p0 =	sne.s32 s15, $0xFF0;
	v6 =	vsub.s32 s14, v6;
	(v2sf) =	vpush v7, $0xF  }
0xb1: {  	v6 =	vadd.s32 v7, v6  }
0xb2: {  	[tilespmem:v4+s8+$0x0] =	vst.idx.msk $0xffff, v6;
	v4 =	vmov v5;
	_ =	sdelay $0x1  }
0xb3: {  	v6 =	vld.idx.msk [tilespmem:v5+s8+$0x0], $0xffff;
	_ =	sdelay $0x5  }
0xb4: {  	(xrf0) =	vadd.scan.msk.s32 $0xffff, v6;
	_ =	sdelay $0x1  }
.Ltmp10:
0xb5: {  	(pc) =	sbr.rel @p0 .LBB2_18-.Ltmp10, $3  }
0xb6: {  	_ =	sdelay $0x1  }
0xb7: {  	s16 =	spop (v2sf)  }
0xb8: {  	v5 =	vor.u32 s15, v0;
	s15 =	sadd.s32 $0x10, s15;
	v7, _, _ =	vpop (xrf0);
	s14 =	sadd.s32 s14, s16  }
0xb9: {  	(v2sf) =	vpush v7, $0xF;
	_ =	sdelay $0x2  }
0xba: {  	v6 =	vsub.s32 s14, v6  }
0xbb: {  	v6 =	vadd.s32 v7, v6  }
0xbc: {  	[tilespmem:v4+s8+$0x0] =	vst.idx.msk $0xffff, v6  }
0xbd: {  	v4 =	vld.idx.msk [tilespmem:v5+s8+$0x0], $0xffff;
	_ =	sdelay $0x4  }
0xbe: {  	(xrf0) =	vadd.scan.msk.s32 $0xffff, v4;
	_ =	sdelay $0x3  }
0xbf: {  	v8 =	vor.u32 s13, v2;
	s15 =	spop (v2sf)  }
0xc0: {  	s29 =	sadd.s32 s14, s15  }
0xc1: {  	v6, _, _ =	vpop (xrf0);
	v4 =	vsub.s32 s29, v4  }
0xc2: {  	v4 =	vadd.s32 v6, v4  }
0xc3: {  	[tilespmem:v5+s8+$0x0] =	vst.idx.msk $0xffff, v4  }
0xc4: {  	v4 =	vld.idx.msk [tilespmem:v8+s9+$0x0], $0xffff;
	_ =	sdelay $0x2  }
0xc5: {  	(v2sf) =	vpush v6, $0xF;
	_ =	sdelay $0x1  }
0xc6: {  	v5 =	vshrl.u32 v4, $0x4  }
0xc7: {  	v5 =	vand.u32 $0xFF0, v5  }
0xc8: {  	v6 =	vor.u32 v0, v5;
	_ =	sdelay $0x4  }
0xc9: {  	v7 =	vld.idx.msk [tilespmem:v6+s8+$0x0], $0xffff;
	_ =	sdelay $0x3  }
0xca: {  	s30 =	simm.s32 $0x1;
	v5 =	vld.idx.msk [tilespmem:v8+s10+$0x0], $0xffff  }
0xcb: {  	v8 =	vor.u32 s30, v2  }
0xcc: {  	s13 =	simm.s32 $0x2;
	s31 =	spop (v2sf);
	v9 =	vadd.s32 $0x1, v7  }
.LBB2_20:
0xcd: {  	p0 =	sne.s32 s13, $0xFF;
	[tilespmem:v6+s8+$0x0] =	vst.idx.msk $0xffff, v9  }
0xce: {  	[tilespmem:v7+s7+$0x0] =	vst.idx.msk $0xffff, v4  }
0xcf: {  	[tilespmem:v7+s11+$0x0] =	vst.idx.msk $0xffff, v5  }
0xd0: {  	v4 =	vld.idx.msk [tilespmem:v8+s9+$0x0], $0xffff  }
0xd1: {  	v5 =	vld.idx.msk [tilespmem:v8+s10+$0x0], $0xffff;
	_ =	sdelay $0x4  }
0xd2: {  	v6 =	vshrl.u32 v4, $0x4  }
0xd3: {  	v6 =	vand.u32 $0xFF0, v6  }
0xd4: {  	v6 =	vor.u32 v0, v6;
	_ =	sdelay $0x4  }
0xd5: {  	v7 =	vld.idx.msk [tilespmem:v6+s8+$0x0], $0xffff;
	_ =	sdelay $0x1  }
.Ltmp11:
0xd6: {  	(pc) =	sbr.rel @p0 .LBB2_20-.Ltmp11, $3  }
0xd7: {  	_ =	sdelay $0x1  }
0xd8: {  	v8 =	vor.u32 s13, v2  }
0xd9: {  	s13 =	sadd.s32 $0x1, s13;
	v9 =	vadd.s32 $0x1, v7  }
0xda: {  	_ =	sdelay $0x3  }
0xdb: {  	[tilespmem:v6+s8+$0x0] =	vst.idx.msk $0xffff, v9  }
0xdc: {  	[tilespmem:v7+s7+$0x0] =	vst.idx.msk $0xffff, v4  }
0xdd: {  	[tilespmem:v7+s11+$0x0] =	vst.idx.msk $0xffff, v5  }
0xde: {  	v4 =	vld.idx.msk [tilespmem:v8+s9+$0x0], $0xffff;
	_ =	sdelay $0x4  }
0xdf: {  	v5 =	vshrl.u32 v4, $0x4  }
0xe0: {  	v5 =	vand.u32 $0xFF0, v5  }
0xe1: {  	v5 =	vor.u32 v0, v5;
	_ =	sdelay $0x4  }
0xe2: {  	v6 =	vld.idx.msk [tilespmem:v5+s8+$0x0], $0xffff;
	_ =	sdelay $0x3  }
0xe3: {  	v7 =	vld.idx.msk [tilespmem:v8+s10+$0x0], $0xffff;
	_ =	sdelay $0x1  }
0xe4: {  	v63 =	vadd.s32 $0x1, v6  }
0xe5: {  	[tilespmem:v5+s8+$0x0] =	vst.idx.msk $0xffff, v63  }
0xe6: {  	s13 =	simm.s32 $0x0;
	[tilespmem:v6+s7+$0x0] =	vst.idx.msk $0xffff, v4  }
0xe7: {  	s14 =	simm.s32 $0x10;
	v4 =	vor.u32 s13, v0;
	[tilespmem:v6+s11+$0x0] =	vst.idx.msk $0xffff, v7  }
.LBB2_22:
0xe8: {  	p0 =	sne.s32 s14, $0xFF0  }
.Ltmp12:
0xe9: {  	_ = 	snop;
	(pc) =	sbr.rel @p0 .LBB2_22-.Ltmp12, $3  }
0xea: {  	_ =	sdelay $0x1  }
0xeb: {  	[tilespmem:v4+s8+$0x0] =	vst.idx.msk $0xffff, v1;
	s15 =	smov.u32 s14;
	s14 =	sadd.s32 $0x10, s14  }
0xec: {  	v4 =	vor.u32 s15, v0  }
0xed: {  	v5 =	vor.u32 s13, v2;
	_ =	sdelay $0x3  }
0xee: {  	[tilespmem:v4+s8+$0x0] =	vst.idx.msk $0xffff, v1  }
0xef: {  	v4 =	vld.idx.msk [tilespmem:v5+s7+$0x0], $0xffff;
	_ =	sdelay $0x4  }
0xf0: {  	v4 =	vshrl.u32 v4, $0xC  }
0xf1: {  	v4 =	vand.u32 $0xFF0, v4  }
0xf2: {  	v4 =	vor.u32 v0, v4;
	_ =	sdelay $0x4  }
0xf3: {  	v6 =	vld.idx.msk [tilespmem:v4+s8+$0x0], $0xffff  }
0xf4: {  	s31 =	simm.s32 $0x1  }
0xf5: {  	s13 =	simm.s32 $0x2;
	v5 =	vor.u32 s31, v2  }
.LBB2_24:
0xf6: {  	p0 =	sne.s32 s13, $0xFF;
	_ =	sdelay $0x1  }
0xf7: {  	v6 =	vadd.s32 $0x1, v6  }
0xf8: {  	[tilespmem:v4+s8+$0x0] =	vst.idx.msk $0xffff, v6  }
0xf9: {  	v4 =	vld.idx.msk [tilespmem:v5+s7+$0x0], $0xffff;
	_ =	sdelay $0x5  }
0xfa: {  	v4 =	vshrl.u32 v4, $0xC  }
0xfb: {  	v4 =	vand.u32 $0xFF0, v4  }
0xfc: {  	v4 =	vor.u32 v0, v4;
	_ =	sdelay $0x3  }
.Ltmp13:
0xfd: {  	(pc) =	sbr.rel @p0 .LBB2_24-.Ltmp13, $2  }
0xfe: {  	v6 =	vld.idx.msk [tilespmem:v4+s8+$0x0], $0xffff;
	_ =	sdelay $0x2  }
0xff: {  	v5 =	vor.u32 s13, v2;
	s13 =	sadd.s32 $0x1, s13  }
0x100: {  	_ =	sdelay $0x2  }
0x101: {  	v6 =	vadd.s32 $0x1, v6  }
0x102: {  	[tilespmem:v4+s8+$0x0] =	vst.idx.msk $0xffff, v6  }
0x103: {  	v4 =	vld.idx.msk [tilespmem:v5+s7+$0x0], $0xffff;
	_ =	sdelay $0x4  }
0x104: {  	v4 =	vshrl.u32 v4, $0xC  }
0x105: {  	v4 =	vand.u32 $0xFF0, v4  }
0x106: {  	v5 =	vor.u32 v0, v4;
	_ =	sdelay $0x4  }
0x107: {  	v6 =	vld.idx.msk [tilespmem:v5+s8+$0x0], $0xffff  }
0x108: {  	s13 =	simm.s32 $0x0  }
0x109: {  	v4 =	vor.u32 s13, v0;
	_ =	sdelay $0x2  }
0x10a: {  	v6 =	vadd.s32 $0x1, v6  }
0x10b: {  	[tilespmem:v5+s8+$0x0] =	vst.idx.msk $0xffff, v6  }
0x10c: {  	v6 =	vld.idx.msk [tilespmem:v4+s8+$0x0], $0xffff;
	_ =	sdelay $0x4  }
0x10d: {  	(xrf0) =	vadd.scan.msk.s32 $0xffff, v6;
	_ =	sdelay $0x4  }
0x10e: {  	s14 =	simm.s32 $0x10  }
0x10f: {  	s15 =	simm.s32 $0x20;
	v5 =	vor.u32 s14, v0;
	s14 =	simm.s32 $0x0;
	v7, _, _ =	vpop (xrf0)  }
.LBB2_26:
0x110: {  	p0 =	sne.s32 s15, $0xFF0;
	v6 =	vsub.s32 s14, v6;
	(v2sf) =	vpush v7, $0xF  }
0x111: {  	v6 =	vadd.s32 v7, v6  }
0x112: {  	[tilespmem:v4+s8+$0x0] =	vst.idx.msk $0xffff, v6;
	v4 =	vmov v5;
	_ =	sdelay $0x1  }
0x113: {  	v6 =	vld.idx.msk [tilespmem:v5+s8+$0x0], $0xffff;
	_ =	sdelay $0x5  }
0x114: {  	(xrf0) =	vadd.scan.msk.s32 $0xffff, v6;
	_ =	sdelay $0x1  }
.Ltmp14:
0x115: {  	(pc) =	sbr.rel @p0 .LBB2_26-.Ltmp14, $3  }
0x116: {  	_ =	sdelay $0x1  }
0x117: {  	s16 =	spop (v2sf)  }
0x118: {  	v5 =	vor.u32 s15, v0;
	s15 =	sadd.s32 $0x10, s15;
	v7, _, _ =	vpop (xrf0);
	s14 =	sadd.s32 s14, s16  }
0x119: {  	(v2sf) =	vpush v7, $0xF;
	_ =	sdelay $0x2  }
0x11a: {  	v6 =	vsub.s32 s14, v6  }
0x11b: {  	v6 =	vadd.s32 v7, v6  }
0x11c: {  	[tilespmem:v4+s8+$0x0] =	vst.idx.msk $0xffff, v6  }
0x11d: {  	v4 =	vld.idx.msk [tilespmem:v5+s8+$0x0], $0xffff;
	_ =	sdelay $0x4  }
0x11e: {  	(xrf0) =	vadd.scan.msk.s32 $0xffff, v4;
	_ =	sdelay $0x3  }
0x11f: {  	v8 =	vor.u32 s13, v2;
	s15 =	spop (v2sf)  }
0x120: {  	s29 =	sadd.s32 s14, s15  }
0x121: {  	v6, _, _ =	vpop (xrf0);
	v4 =	vsub.s32 s29, v4  }
0x122: {  	v4 =	vadd.s32 v6, v4  }
0x123: {  	[tilespmem:v5+s8+$0x0] =	vst.idx.msk $0xffff, v4  }
0x124: {  	v4 =	vld.idx.msk [tilespmem:v8+s7+$0x0], $0xffff;
	_ =	sdelay $0x2  }
0x125: {  	(v2sf) =	vpush v6, $0xF;
	_ =	sdelay $0x1  }
0x126: {  	v5 =	vshrl.u32 v4, $0xC  }
0x127: {  	v5 =	vand.u32 $0xFF0, v5  }
0x128: {  	v6 =	vor.u32 v0, v5;
	_ =	sdelay $0x4  }
0x129: {  	v7 =	vld.idx.msk [tilespmem:v6+s8+$0x0], $0xffff;
	_ =	sdelay $0x3  }
0x12a: {  	s30 =	simm.s32 $0x1;
	v5 =	vld.idx.msk [tilespmem:v8+s11+$0x0], $0xffff  }
0x12b: {  	v8 =	vor.u32 s30, v2  }
0x12c: {  	s13 =	simm.s32 $0x2;
	s31 =	spop (v2sf);
	v9 =	vadd.s32 $0x1, v7  }
.LBB2_28:
0x12d: {  	p0 =	sne.s32 s13, $0xFF;
	[tilespmem:v6+s8+$0x0] =	vst.idx.msk $0xffff, v9  }
0x12e: {  	[tilespmem:v7+s9+$0x0] =	vst.idx.msk $0xffff, v4  }
0x12f: {  	[tilespmem:v7+s10+$0x0] =	vst.idx.msk $0xffff, v5  }
0x130: {  	v4 =	vld.idx.msk [tilespmem:v8+s7+$0x0], $0xffff  }
0x131: {  	v5 =	vld.idx.msk [tilespmem:v8+s11+$0x0], $0xffff;
	_ =	sdelay $0x4  }
0x132: {  	v6 =	vshrl.u32 v4, $0xC  }
0x133: {  	v6 =	vand.u32 $0xFF0, v6  }
0x134: {  	v6 =	vor.u32 v0, v6;
	_ =	sdelay $0x4  }
0x135: {  	v7 =	vld.idx.msk [tilespmem:v6+s8+$0x0], $0xffff;
	_ =	sdelay $0x1  }
.Ltmp15:
0x136: {  	(pc) =	sbr.rel @p0 .LBB2_28-.Ltmp15, $3  }
0x137: {  	_ =	sdelay $0x1  }
0x138: {  	v8 =	vor.u32 s13, v2  }
0x139: {  	s13 =	sadd.s32 $0x1, s13;
	v9 =	vadd.s32 $0x1, v7  }
0x13a: {  	_ =	sdelay $0x3  }
0x13b: {  	[tilespmem:v6+s8+$0x0] =	vst.idx.msk $0xffff, v9  }
0x13c: {  	[tilespmem:v7+s9+$0x0] =	vst.idx.msk $0xffff, v4  }
0x13d: {  	[tilespmem:v7+s10+$0x0] =	vst.idx.msk $0xffff, v5  }
0x13e: {  	v4 =	vld.idx.msk [tilespmem:v8+s7+$0x0], $0xffff;
	_ =	sdelay $0x4  }
0x13f: {  	v5 =	vshrl.u32 v4, $0xC  }
0x140: {  	v5 =	vand.u32 $0xFF0, v5  }
0x141: {  	v5 =	vor.u32 v0, v5;
	_ =	sdelay $0x4  }
0x142: {  	v6 =	vld.idx.msk [tilespmem:v5+s8+$0x0], $0xffff;
	_ =	sdelay $0x3  }
0x143: {  	v7 =	vld.idx.msk [tilespmem:v8+s11+$0x0], $0xffff;
	_ =	sdelay $0x1  }
0x144: {  	v63 =	vadd.s32 $0x1, v6  }
0x145: {  	[tilespmem:v5+s8+$0x0] =	vst.idx.msk $0xffff, v63  }
0x146: {  	s13 =	simm.s32 $0x0;
	[tilespmem:v6+s9+$0x0] =	vst.idx.msk $0xffff, v4  }
0x147: {  	s14 =	simm.s32 $0x10;
	v4 =	vor.u32 s13, v0;
	[tilespmem:v6+s10+$0x0] =	vst.idx.msk $0xffff, v7  }
.LBB2_30:
0x148: {  	p0 =	sne.s32 s14, $0xFF0  }
.Ltmp16:
0x149: {  	_ = 	snop;
	(pc) =	sbr.rel @p0 .LBB2_30-.Ltmp16, $3  }
0x14a: {  	_ =	sdelay $0x1  }
0x14b: {  	[tilespmem:v4+s8+$0x0] =	vst.idx.msk $0xffff, v1;
	s15 =	smov.u32 s14;
	s14 =	sadd.s32 $0x10, s14  }
0x14c: {  	v4 =	vor.u32 s15, v0  }
0x14d: {  	v5 =	vor.u32 s13, v2;
	_ =	sdelay $0x3  }
0x14e: {  	[tilespmem:v4+s8+$0x0] =	vst.idx.msk $0xffff, v1  }
0x14f: {  	v4 =	vld.idx.msk [tilespmem:v5+s9+$0x0], $0xffff;
	_ =	sdelay $0x4  }
0x150: {  	v4 =	vshrl.u32 v4, $0x14  }
0x151: {  	v4 =	vand.u32 $0xFF0, v4  }
0x152: {  	v4 =	vor.u32 v0, v4;
	_ =	sdelay $0x4  }
0x153: {  	v6 =	vld.idx.msk [tilespmem:v4+s8+$0x0], $0xffff  }
0x154: {  	s31 =	simm.s32 $0x1  }
0x155: {  	s13 =	simm.s32 $0x2;
	v5 =	vor.u32 s31, v2  }
.LBB2_32:
0x156: {  	p0 =	sne.s32 s13, $0xFF;
	_ =	sdelay $0x1  }
0x157: {  	v6 =	vadd.s32 $0x1, v6  }
0x158: {  	[tilespmem:v4+s8+$0x0] =	vst.idx.msk $0xffff, v6  }
0x159: {  	v4 =	vld.idx.msk [tilespmem:v5+s9+$0x0], $0xffff;
	_ =	sdelay $0x5  }
0x15a: {  	v4 =	vshrl.u32 v4, $0x14  }
0x15b: {  	v4 =	vand.u32 $0xFF0, v4  }
0x15c: {  	v4 =	vor.u32 v0, v4;
	_ =	sdelay $0x3  }
.Ltmp17:
0x15d: {  	(pc) =	sbr.rel @p0 .LBB2_32-.Ltmp17, $2  }
0x15e: {  	v6 =	vld.idx.msk [tilespmem:v4+s8+$0x0], $0xffff;
	_ =	sdelay $0x2  }
0x15f: {  	v5 =	vor.u32 s13, v2;
	s13 =	sadd.s32 $0x1, s13  }
0x160: {  	_ =	sdelay $0x2  }
0x161: {  	v6 =	vadd.s32 $0x1, v6  }
0x162: {  	[tilespmem:v4+s8+$0x0] =	vst.idx.msk $0xffff, v6  }
0x163: {  	v4 =	vld.idx.msk [tilespmem:v5+s9+$0x0], $0xffff;
	_ =	sdelay $0x4  }
0x164: {  	v4 =	vshrl.u32 v4, $0x14  }
0x165: {  	v4 =	vand.u32 $0xFF0, v4  }
0x166: {  	v5 =	vor.u32 v0, v4;
	_ =	sdelay $0x4  }
0x167: {  	v6 =	vld.idx.msk [tilespmem:v5+s8+$0x0], $0xffff  }
0x168: {  	s13 =	simm.s32 $0x0  }
0x169: {  	v4 =	vor.u32 s13, v0;
	_ =	sdelay $0x2  }
0x16a: {  	v6 =	vadd.s32 $0x1, v6  }
0x16b: {  	[tilespmem:v5+s8+$0x0] =	vst.idx.msk $0xffff, v6  }
0x16c: {  	v6 =	vld.idx.msk [tilespmem:v4+s8+$0x0], $0xffff;
	_ =	sdelay $0x4  }
0x16d: {  	(xrf0) =	vadd.scan.msk.s32 $0xffff, v6;
	_ =	sdelay $0x4  }
0x16e: {  	s14 =	simm.s32 $0x10  }
0x16f: {  	s15 =	simm.s32 $0x20;
	v5 =	vor.u32 s14, v0;
	s14 =	simm.s32 $0x0;
	v7, _, _ =	vpop (xrf0)  }
.LBB2_34:
0x170: {  	p0 =	sne.s32 s15, $0xFF0;
	v6 =	vsub.s32 s14, v6;
	(v2sf) =	vpush v7, $0xF  }
0x171: {  	v6 =	vadd.s32 v7, v6  }
0x172: {  	[tilespmem:v4+s8+$0x0] =	vst.idx.msk $0xffff, v6;
	v4 =	vmov v5;
	_ =	sdelay $0x1  }
0x173: {  	v6 =	vld.idx.msk [tilespmem:v5+s8+$0x0], $0xffff;
	_ =	sdelay $0x5  }
0x174: {  	(xrf0) =	vadd.scan.msk.s32 $0xffff, v6;
	_ =	sdelay $0x1  }
.Ltmp18:
0x175: {  	(pc) =	sbr.rel @p0 .LBB2_34-.Ltmp18, $3  }
0x176: {  	_ =	sdelay $0x1  }
0x177: {  	s16 =	spop (v2sf)  }
0x178: {  	v5 =	vor.u32 s15, v0;
	s15 =	sadd.s32 $0x10, s15;
	v7, _, _ =	vpop (xrf0);
	s14 =	sadd.s32 s14, s16  }
0x179: {  	(v2sf) =	vpush v7, $0xF;
	_ =	sdelay $0x2  }
0x17a: {  	v6 =	vsub.s32 s14, v6  }
0x17b: {  	v6 =	vadd.s32 v7, v6  }
0x17c: {  	[tilespmem:v4+s8+$0x0] =	vst.idx.msk $0xffff, v6  }
0x17d: {  	v4 =	vld.idx.msk [tilespmem:v5+s8+$0x0], $0xffff;
	_ =	sdelay $0x4  }
0x17e: {  	(xrf0) =	vadd.scan.msk.s32 $0xffff, v4;
	_ =	sdelay $0x3  }
0x17f: {  	v8 =	vor.u32 s13, v2;
	s15 =	spop (v2sf)  }
0x180: {  	s29 =	sadd.s32 s14, s15  }
0x181: {  	v6, _, _ =	vpop (xrf0);
	v4 =	vsub.s32 s29, v4  }
0x182: {  	v4 =	vadd.s32 v6, v4  }
0x183: {  	[tilespmem:v5+s8+$0x0] =	vst.idx.msk $0xffff, v4  }
0x184: {  	v4 =	vld.idx.msk [tilespmem:v8+s9+$0x0], $0xffff;
	_ =	sdelay $0x2  }
0x185: {  	(v2sf) =	vpush v6, $0xF;
	_ =	sdelay $0x1  }
0x186: {  	v5 =	vshrl.u32 v4, $0x14  }
0x187: {  	v5 =	vand.u32 $0xFF0, v5  }
0x188: {  	v6 =	vor.u32 v0, v5;
	_ =	sdelay $0x4  }
0x189: {  	v7 =	vld.idx.msk [tilespmem:v6+s8+$0x0], $0xffff;
	_ =	sdelay $0x3  }
0x18a: {  	s30 =	simm.s32 $0x1;
	v5 =	vld.idx.msk [tilespmem:v8+s10+$0x0], $0xffff  }
0x18b: {  	v8 =	vor.u32 s30, v2  }
0x18c: {  	s13 =	simm.s32 $0x2;
	s31 =	spop (v2sf);
	v9 =	vadd.s32 $0x1, v7  }
.LBB2_36:
0x18d: {  	p0 =	sne.s32 s13, $0xFF;
	[tilespmem:v6+s8+$0x0] =	vst.idx.msk $0xffff, v9  }
0x18e: {  	[tilespmem:v7+s7+$0x0] =	vst.idx.msk $0xffff, v4  }
0x18f: {  	[tilespmem:v7+s11+$0x0] =	vst.idx.msk $0xffff, v5  }
0x190: {  	v4 =	vld.idx.msk [tilespmem:v8+s9+$0x0], $0xffff  }
0x191: {  	v5 =	vld.idx.msk [tilespmem:v8+s10+$0x0], $0xffff;
	_ =	sdelay $0x4  }
0x192: {  	v6 =	vshrl.u32 v4, $0x14  }
0x193: {  	v6 =	vand.u32 $0xFF0, v6  }
0x194: {  	v6 =	vor.u32 v0, v6;
	_ =	sdelay $0x4  }
0x195: {  	v7 =	vld.idx.msk [tilespmem:v6+s8+$0x0], $0xffff;
	_ =	sdelay $0x1  }
.Ltmp19:
0x196: {  	(pc) =	sbr.rel @p0 .LBB2_36-.Ltmp19, $3  }
0x197: {  	_ =	sdelay $0x1  }
0x198: {  	v8 =	vor.u32 s13, v2  }
0x199: {  	s13 =	sadd.s32 $0x1, s13;
	v9 =	vadd.s32 $0x1, v7  }
0x19a: {  	_ =	sdelay $0x3  }
0x19b: {  	[tilespmem:v6+s8+$0x0] =	vst.idx.msk $0xffff, v9  }
0x19c: {  	[tilespmem:v7+s7+$0x0] =	vst.idx.msk $0xffff, v4  }
0x19d: {  	[tilespmem:v7+s11+$0x0] =	vst.idx.msk $0xffff, v5  }
0x19e: {  	v4 =	vld.idx.msk [tilespmem:v8+s9+$0x0], $0xffff;
	_ =	sdelay $0x4  }
0x19f: {  	v5 =	vshrl.u32 v4, $0x14  }
0x1a0: {  	v5 =	vand.u32 $0xFF0, v5  }
0x1a1: {  	v5 =	vor.u32 v0, v5;
	_ =	sdelay $0x4  }
0x1a2: {  	v6 =	vld.idx.msk [tilespmem:v5+s8+$0x0], $0xffff;
	_ =	sdelay $0x3  }
0x1a3: {  	v7 =	vld.idx.msk [tilespmem:v8+s10+$0x0], $0xffff;
	_ =	sdelay $0x1  }
0x1a4: {  	v63 =	vadd.s32 $0x1, v6  }
0x1a5: {  	[tilespmem:v5+s8+$0x0] =	vst.idx.msk $0xffff, v63  }
0x1a6: {  	s12 =	sadd.s32 $0x1, s12;
	[tilespmem:v6+s7+$0x0] =	vst.idx.msk $0xffff, v4  }
0x1a7: {  	p0 =	sne.s32 s12, s5;
	[tilespmem:v6+s11+$0x0] =	vst.idx.msk $0xffff, v7  }
0x1a8: {  	[hbm4b:s4+s2] =	stream.linear.scatter [tilespmem:s11], [sflag:$0x1], $0x1000, $0x38;
	[tilespmem:$0x6000] =	vst v63  }
.Ltmp20:
0x1a9: {  	_ = 	snop;
	(pc) =	sbr.rel @p0 .LBB2_1-.Ltmp20, $4  }
.Ltmp21:
0x1aa: {  	_ = 	snop;
	(pc) =	sbr.rel @!p0 .LBB2_38-.Ltmp21, $4  }
0x1ab: {  	_ =	swait.ge [sflag:s6], $0x1000  }
0x1ac: {  	[sflag:s6] =	ssyncset.done $0x0  }
0x1ad: {  	[sflag:s6] =	ssyncadd.s32 $0xFFFFF000  }
0x1ae: {  	_ = 	snop  }
.LBB2_6:
.Ltmp22:
0x1af: {  	(pc) =	sbr.rel .LBB2_9-.Ltmp22, $2  }
0x1b0: {  	_ =	sdelay $0x2  }
0x1b1: {  	_ = 	snop  }
.LBB2_38:
0x1b2: {  	_ =	sfence.sel $0x180000  }
0x1b3: {  	[bflag:$0x0] =	sbarrier.arrive $0xFFFF  }
0x1b4: {  	p0 =	sne.s32 s1, $0x0;
	_ =	strace $0x90000047  }
0x1b5: {  	s0 =	sadd.s32 @!p0 $0x100000, s0;
	[bflag:$0x2] =	sbarrier.arrive $0xFFFF  }
0x1b6: {  	[sflag:s0] =	ssyncadd.tile.s32 @!p0 $0x1;
	_ =	shalt  }
.Lfunc_end2:
_tile_overlayer_lowered:
.L_overlay_start_2:
0x1b7: {  	(tag) =	ssettag $0x2  }
0x1b8: {  	s0 =	rddreg [dreg:$0x0];
	s2 =	stileid.u32  }
0x1b9: {  	s1 =	rddreg [dreg:$0x1];
	p0 =	sne.s32 s2, $0x0  }
0x1ba: {  	s3 =	rddreg [dreg:$0x2];
	[bflag:$0x3] =	sbarrier.arrive $0xFFFF;
	s2 =	simm.s32 @!p0 $0x1C01  }
0x1bb: {  	[timem:s3], [sflag:s2] =	dma.local @!p0 [hbm:s0], s1  }
0x1bc: {  	s0 =	simm.s32 @!p0 $0x1  }
0x1bd: {  	_ =	swait.ge @!p0 [sflag:s0], s1  }
0x1be: {  	s1 =	ssub.s32 @!p0 $0x0, s1;
	[sflag:s0] =	ssyncset.done @!p0 $0x0  }
0x1bf: {  	[sflag:s0] =	ssyncadd.s32 @!p0 s1  }
0x1c0: {  	[bflag:$0x3] =	sbarrier.arrive $0xFFFF  }
0x1c1: {  	_ =	shalt  }

// kernel: kernel.8.cloned.1.call-start
scs
__scs_entry_jumppad:
0x0: {  	(pc) =	sbr.rel $0x88, $3  }
0x1: {  	(tag) =	ssettag $0x0;
	lr =	simm.s32 $0x1  }
0x2: {  	[smem:$0x3F9C] =	sst lr;
	_ =	strace $0xD0000000  }
0x3: {  	_ = 	snop  }
0x4: {  	_ = 	snop  }
0x5: {  	_ = 	snop  }
0x6: {  	_ = 	snop  }
0x7: {  	_ = 	snop  }
__scs_overlays_trampoline_lowered:
0x8: {  	[smem:$0x3FAB] =	sst s0  }
0x9: {  	[smem:$0x3FAC] =	sst s1  }
0xa: {  	[smem:$0x3FAD] =	sst s2  }
0xb: {  	[smem:$0x3FAE] =	sst s3  }
0xc: {  	[smem:$0x3FAF] =	sst s4  }
0xd: {  	[smem:$0x3FB0] =	sst s5  }
0xe: {  	[smem:$0x3FB1] =	sst s6  }
0xf: {  	[smem:$0x3FB2] =	sst s7  }
0x10: {  	[smem:$0x3FB3] =	sst s8  }
0x11: {  	[smem:$0x3FB4] =	sst s9;
	s0 =	simm.s32 @!p0 $0x0  }
0x12: {  	s1 =	sld [smem:$0x3F9A];
	s0 =	simm.s32 @p0 $0x1  }
0x13: {  	[smem:$0x3FB5] =	sst s0;
	s0 =	simm.s32 @!p1 $0x0  }
0x14: {  	s2 =	sld [smem:$0x3F99];
	s0 =	simm.s32 @p1 $0x1  }
0x15: {  	[smem:$0x3FB6] =	sst s0;
	s0 =	simm.s32 @!p2 $0x0  }
0x16: {  	s3 =	sld [smem:$0x3FDB];
	s0 =	simm.s32 @p2 $0x1  }
0x17: {  	s4 =	simm.s32 $0x1BF5;
	[smem:$0x3FB8] =	sst s0  }
0x18: {  	s0 =	sld [smem:$0x3F9B];
	_ =	swait.ge [sflag:s4], $0x0  }
0x19: {  	s7 =	sld [smem:$0x3F9C]  }
0x1a: {  	s8 =	sadd.s32 $0xFFFFE003, lr  }
0x1b: {  	s9 =	sadd.s32 $0xFFFFFEF7, lr;
	s5 =	simm.s32 $0xFFFFFFFF;
	p2 =	slt.u32 s8, $0xFFFFF086  }
0x1c: {  	p1 =	slt.u32 s9, $0xF7A;
	s5 =	simm.s32 @!p2 $0x0  }
0x1d: {  	s5 =	simm.s32 @p1 $0x1;
	p0 =	seq.s32 s7, s2  }
0x1e: {  	s7 =	smul.u32 @!p0 $0xF7A, s2;
	p2 =	seq.s32 @!p0 s5, $0x0  }
0x1f: {  	s9 =	smul.u32 $0xF7A, s1;
	s8 =	simm.s32 @!p0 $0x1BF5;
	p2 =	por !p2, p0  }
0x20: {  	[sflag:s8] =	ssyncset.s32 @!p0 $0xFFFFF086;
	s6 =	sadd.s32 @!p0 s3, s7;
	s7 =	simm.s32 @!p0 $0x108  }
0x21: {  	s3 =	sadd.s32 s3, s9;
	s6 =	sadd.s32 @!p0 $0x88, s6;
	s7 =	simm.s32 @p2 $0x1082  }
0x22: {  	[simem:s7], [sflag:s8] =	dma.local @!p0 [hbm:s6], $0xF7A  }
0x23: {  	s9 =	sor.u32 $0xD0000000, s2;
	s6 =	simm.s32 $0x108;
	_ =	swait.ge @!p0 [sflag:s8], $0x0  }
0x24: {  	s3 =	sadd.s32 $0x88, s3;
	s6 =	simm.s32 @!p1 $0x1082;
	[sflag:s4] =	ssyncset.s32 $0xFFFFF086  }
0x25: {  	[simem:s6], [sflag:s4] =	dma.local [hbm:s3], $0xF7A  }
0x26: {  	[smem:$0x3F9C] =	sst s1;
	(tag) =	ssettag s2;
	_ =	strace s9  }
0x27: {  	s1 =	sld [smem:$0x3FAC]  }
0x28: {  	s2 =	sld [smem:$0x3FAD]  }
0x29: {  	s4 =	sld [smem:$0x3FAF]  }
0x2a: {  	p0 =	seq.s32 s5, $0x0;
	s5 =	sld [smem:$0x3FB0]  }
0x2b: {  	s6 =	sld [smem:$0x3FB1]  }
0x2c: {  	s7 =	sld [smem:$0x3FB2]  }
0x2d: {  	s3 =	simm.s32 $0x108;
	s8 =	sld [smem:$0x3FB3]  }
0x2e: {  	s3 =	simm.s32 @!p0 $0x1082;
	s9 =	sld [smem:$0x3FB4]  }
0x2f: {  	lr =	sadd.s32 s0, s3;
	s0 =	sld [smem:$0x3FAB]  }
0x30: {  	s3 =	sld [smem:$0x3FAE]  }
0x31: {  	[smem:$0x3FB7] =	sst s10  }
0x32: {  	s10 =	sld [smem:$0x3FB5];
	_ =	sdelay $0x3  }
0x33: {  	p0 =	seq.s32 s10, $0x1;
	s10 =	sld [smem:$0x3FB7];
	_ =	sdelay $0x3  }
0x34: {  	[smem:$0x3FB7] =	sst s10  }
0x35: {  	s10 =	sld [smem:$0x3FB6];
	_ =	sdelay $0x3  }
0x36: {  	p1 =	seq.s32 s10, $0x1;
	s10 =	sld [smem:$0x3FB7];
	_ =	sdelay $0x3  }
0x37: {  	[smem:$0x3FB7] =	sst s10  }
0x38: {  	s10 =	sld [smem:$0x3FB8]  }
0x39: {  	_ = 	snop;
	(pc) =	sbr.ind lr, $3  }
0x3a: {  	_ = 	snop  }
0x3b: {  	_ = 	snop  }
0x3c: {  	p2 =	seq.s32 s10, $0x1;
	s10 =	sld [smem:$0x3FB7]  }
0x3d: {  	_ =	shalt  }
0x3e: {  	_ =	shalt  }
0x3f: {  	_ =	shalt  }
0x40: {  	_ =	shalt  }
0x41: {  	_ =	shalt  }
0x42: {  	_ =	shalt  }
0x43: {  	_ =	shalt  }
0x44: {  	_ =	shalt  }
0x45: {  	_ =	shalt  }
0x46: {  	_ =	shalt  }
0x47: {  	_ =	shalt  }
0x48: {  	_ =	shalt  }
0x49: {  	_ =	shalt  }
0x4a: {  	_ =	shalt  }
0x4b: {  	_ =	shalt  }
0x4c: {  	_ =	shalt  }
0x4d: {  	_ =	shalt  }
0x4e: {  	_ =	shalt  }
0x4f: {  	_ =	shalt  }
0x50: {  	_ =	shalt  }
0x51: {  	_ =	shalt  }
0x52: {  	_ =	shalt  }
0x53: {  	_ =	shalt  }
0x54: {  	_ =	shalt  }
0x55: {  	_ =	shalt  }
0x56: {  	_ =	shalt  }
0x57: {  	_ =	shalt  }
0x58: {  	_ =	shalt  }
0x59: {  	_ =	shalt  }
0x5a: {  	_ =	shalt  }
0x5b: {  	_ =	shalt  }
0x5c: {  	_ =	shalt  }
0x5d: {  	_ =	shalt  }
0x5e: {  	_ =	shalt  }
0x5f: {  	_ =	shalt  }
0x60: {  	_ =	shalt  }
0x61: {  	_ =	shalt  }
0x62: {  	_ =	shalt  }
0x63: {  	_ =	shalt  }
0x64: {  	_ =	shalt  }
0x65: {  	_ =	shalt  }
0x66: {  	_ =	shalt  }
0x67: {  	_ =	shalt  }
0x68: {  	_ =	shalt  }
0x69: {  	_ =	shalt  }
0x6a: {  	_ =	shalt  }
0x6b: {  	_ =	shalt  }
0x6c: {  	_ =	shalt  }
0x6d: {  	_ =	shalt  }
0x6e: {  	_ =	shalt  }
0x6f: {  	_ =	shalt  }
0x70: {  	_ =	shalt  }
0x71: {  	_ =	shalt  }
0x72: {  	_ =	shalt  }
0x73: {  	_ =	shalt  }
0x74: {  	_ =	shalt  }
0x75: {  	_ =	shalt  }
0x76: {  	_ =	shalt  }
0x77: {  	_ =	shalt  }
0x78: {  	_ =	shalt  }
0x79: {  	_ =	shalt  }
0x7a: {  	_ =	shalt  }
0x7b: {  	_ =	shalt  }
0x7c: {  	_ =	shalt  }
0x7d: {  	_ =	shalt  }
0x7e: {  	_ =	shalt  }
0x7f: {  	_ =	shalt  }
0x80: {  	_ =	shalt  }
0x81: {  	_ =	shalt  }
0x82: {  	_ =	shalt  }
0x83: {  	_ =	shalt  }
0x84: {  	_ =	shalt  }
0x85: {  	_ =	shalt  }
0x86: {  	_ =	shalt  }
0x87: {  	_ =	shalt  }
.Lfunc_end0:
.L_simem_size_0:
called_computation.1_lowered:
.L_overlay_start_0:
0x88: {  	s2 =	sld [smem:$0x3FD9]  }
0x89: {  	s3 =	sld [smem:$0x3FFE];
	_ =	sdelay $0x1  }
0x8a: {  	s1 =	srdreg.scid  }
0x8b: {  	s0 =	sand.u32 $0x1, s1  }
0x8c: {  	s17 =	sshll.u32 s0, $0xA;
	s2 =	sadd.s32 s3, s2  }
0x8d: {  	s2 =	sadd.s32 s2, s17  }
0x8e: {  	[smem:$0x3FC3] =	sst s2  }
0x8f: {  	_ = 	snop  }
0x90: {  	s2 =	sld [smem:$0x3FD0];
	(tm) =	ssettm $0x1  }
0x91: {  	s18 =	sld [smem:$0x3FFB];
	_ =	sdelay $0x3  }
0x92: {  	_ =	strace s18  }
0x93: {  	s3 =	sld [smem:$0x3FFC];
	_ =	sdelay $0x3  }
0x94: {  	_ =	strace s3  }
0x95: {  	s3 =	sld [smem:$0x3FFD];
	_ =	sdelay $0x3  }
0x96: {  	_ =	strace s3  }
0x97: {  	_ =	strace $0x8FFFFFFF  }
0x98: {  	s19 =	sld [smem:$0x3FDB];
	_ =	sdelay $0x1  }
0x99: {  	s4 =	simm.s32 $_scs_section_size  }
0x9a: {  	s5 =	simm.s32 $_size__tile_overlayer_lowered;
	s6 =	simm.s32 $_tile_overlayer_lowered  }
0x9b: {  	s22 =	simm.s32 $0x1BFF;
	s21 =	sshll.u32 s6, $0x1;
	s3 =	sadd.s32 s4, s19  }
0x9c: {  	s7 =	simm.s32 $0x0;
	s20 =	sshll.u32 s5, $0x1;
	s5 =	sadd.s32 s21, s3  }
0x9d: {  	[timem:s7], [sflag:s22] =	dma.local [hbm:s5], s20  }
0x9e: {  	_ =	swait.ge [sflag:s22], s20  }
0x9f: {  	s4 =	ssub.s32 $0x0, s20;
	[sflag:s22] =	ssyncset.done $0x0  }
0xa0: {  	[sflag:s22] =	ssyncadd.s32 s4;
	_ =	sdelay $0x1  }
0xa1: {  	s23 =	simm.s32 $0x1B8B  }
0xa2: {  	_ =	swait.ge [sflag:s23], $0x1  }
0xa3: {  	[sflag:s23] =	ssyncset.done $0x0  }
0xa4: {  	s25 =	simm.s32 $0x1B8E;
	s24 =	sld [smem:$0x3FFE];
	[sflag:s23] =	ssyncadd.s32 $0xFFFFFFFF  }
0xa5: {  	s26 =	simm.s32 $execute0_lowered;
	[smem:$0x3FD2] =	sst s25  }
0xa6: {  	s5 =	sshll.u32 s26, $0x1;
	_ =	strace $0x80000049;
	[dreg:$0x1] =	wrdreg $0xFFFFFFFF  }
0xa7: {  	s28 =	simm.s32 $_size_execute0_lowered;
	s3 =	sadd.s32 s3, s5;
	[dreg:$0x0] =	wrdreg $0x0  }
0xa8: {  	s5 =	sshll.u32 s28, $0x1;
	[dreg:$0x2] =	wrdreg s3  }
0xa9: {  	[dreg:$0x3] =	wrdreg s5  }
0xaa: {  	[dreg:$0x4] =	wrdreg $0xC0  }
0xab: {  	_ =	task [dreg:s7], $0x5FFFF  }
0xac: {  	[dreg:$0x1] =	wrdreg $0xFFFFFFFF  }
0xad: {  	[dreg:$0x0] =	wrdreg $0x60  }
0xae: {  	[dreg:$0x2] =	wrdreg s24  }
0xaf: {  	[dreg:$0x3] =	wrdreg s2  }
0xb0: {  	[dreg:$0x4] =	wrdreg $0x9  }
0xb1: {  	_ =	task.clear_ibuf [dreg:s7], $0x5FFFF;
	_ =	strace $0x90000049  }
0xb2: {  	s29 =	simm.s32 $0x9;
	_ =	strace $0x8000004B  }
0xb3: {  	_ =	swait.ge [sflag:s29], $0x1  }
0xb4: {  	[sflag:s29] =	ssyncadd.s32 $0xFFFFFFFF  }
0xb5: {  	_ =	strace $0x9000004B  }
0xb6: {  	_ =	sfence  }
0xb7: {  	s30 =	sld [smem:$0x0];
	_ =	sdelay $0x2  }
0xb8: {  	s31 =	sshll.u32 s1, $0xD;
	s1 =	sshrl.u32 s1, $0x2  }
0xb9: {  	s3 =	sand.u32 $0x4000, s31;
	s1 =	sadd.s32 s1, s30  }
0xba: {  	s0 =	sor.u32 s3, s0;
	s1 =	sshll.u32 s1, $0x11  }
0xbb: {  	s0 =	sor.u32 s1, s0  }
0xbc: {  	s0 =	sadd.s32 $0x8F2B, s0  }
0xbd: {  	[sflag:s0] =	ssyncadd.remote.s32 $0x1  }
0xbe: {  	_ =	sfence.sel $0xFFFF  }
0xbf: {  	[dreg:$0x0] =	wrdreg $0xFFFFFFFF;
	(pc) =	sbr.abs _section_cstart, $3  }
0xc0: {  	[dreg:$0x1] =	wrdreg $0xFFFFFFFF  }
0xc1: {  	_ =	task.clear_ibuf [dreg:s7], $0x2FFFF;
	_ =	strace $0x9FFFFFFF  }
0xc2: {  	(tm) =	ssettm $0x7FFFFFFF  }
0xc3: {  	_ =	shalt  }
tec
execute0_lowered:
.L_overlay_start_1:
0x0: {  	(tag) =	ssettag $0x1  }
0x1: {  	s1 =	srdreg.scid  }
0x2: {  	s16 =	rddreg [dreg:$0x0];
	s0 =	stileid.u32;
	s19 =	sand.u32 $0x1, s1  }
0x3: {  	s10 =	rddreg [dreg:$0x1];
	s3 =	sshll.u32 s0, $0xC;
	s4 =	sshll.u32 s19, $0xB  }
0x4: {  	s2 =	simm.s32 $0x0;
	s1 =	rddreg [dreg:$0x2];
	s17 =	sor.u32 s4, s3  }
0x5: {  	[smem:$0x7FF] =	sst s2;
	s9 =	sadd.s32 $0x3400, s16;
	s11 =	sshrl.u32 s17, $0x3  }
0x6: {  	_ =	strace $0x8000004A;
	s3 =	simm.s32 $0x2;
	s4 =	sadd.s32 s9, s11  }
0x7: {  	[tilespmem:s2], [sflag:$0x2] =	stream.linear.gather [hbm4b:s4+s2], $0x400, $0x38;
	[tilespmem:$0x14400] =	vst v63  }
0x8: {  	_ =	swait.ge [sflag:s3], $0x400  }
0x9: {  	s6 =	simm.s32 $0x400;
	[sflag:s3] =	ssyncset.done $0x0  }
0xa: {  	s7 =	simm.s32 $0x1;
	s5 =	sadd.s32 $0x89400, s16;
	[sflag:s3] =	ssyncadd.s32 $0xFFFFFC00  }
0xb: {  	[tilespmem:s6], [sflag:$0x1] =	stream.indirect.gather [hbm4b:s5+s6], $0x30, s2, s6, $0xb8;
	[tilespmem:$0x14400] =	vst v63  }
0xc: {  	s13 =	smul.u32 $0x6, s17;
	_ =	swait.ge [sflag:s7], $0xC000  }
0xd: {  	[sflag:s7] =	ssyncset.done $0x0  }
0xe: {  	s8 =	sadd.s32 s10, s13;
	[sflag:s7] =	ssyncadd.s32 $0xFFFF4000  }
0xf: {  	[hbm4b:s8+s2] =	stream.linear.scatter [tilespmem:s6], [sflag:$0x2], $0xC000, $0x38;
	[tilespmem:$0x14400] =	vst v63  }
0x10: {  	s20 =	sor.u32 $0x400, s17;
	_ =	swait.ge [sflag:s3], $0xC000  }
0x11: {  	s18 =	sshrl.u32 s20, $0x3;
	[sflag:s3] =	ssyncset.done $0x0  }
0x12: {  	s9 =	sadd.s32 s9, s18;
	[sflag:s3] =	ssyncadd.s32 $0xFFFF4000  }
0x13: {  	[tilespmem:s2], [sflag:$0x2] =	stream.linear.gather [hbm4b:s9+s2], $0x400, $0x38;
	[tilespmem:$0x14400] =	vst v63  }
0x14: {  	_ =	swait.ge [sflag:s3], $0x400  }
0x15: {  	[sflag:s3] =	ssyncset.done $0x0  }
0x16: {  	[sflag:s3] =	ssyncadd.s32 $0xFFFFFC00  }
0x17: {  	[tilespmem:s6], [sflag:$0x1] =	stream.indirect.gather [hbm4b:s5+s6], $0x30, s2, s6, $0xb8;
	[tilespmem:$0x14400] =	vst v63  }
0x18: {  	s21 =	smul.u32 $0x6, s20;
	_ =	swait.ge [sflag:s7], $0xC000  }
0x19: {  	[sflag:s7] =	ssyncset.done $0x0  }
0x1a: {  	s10 =	sadd.s32 s10, s21;
	[sflag:s7] =	ssyncadd.s32 $0xFFFF4000  }
0x1b: {  	[hbm4b:s10+s2] =	stream.linear.scatter [tilespmem:s6], [sflag:$0x2], $0xC000, $0x38;
	[tilespmem:$0x14400] =	vst v63  }
0x1c: {  	_ =	swait.ge [sflag:s3], $0xC000  }
0x1d: {  	s22 =	sadd.s32 $0x1400, s16;
	[sflag:s3] =	ssyncset.done $0x0  }
0x1e: {  	s11 =	sadd.s32 s22, s11;
	[sflag:s3] =	ssyncadd.s32 $0xFFFF4000  }
0x1f: {  	[tilespmem:s2], [sflag:$0x2] =	stream.linear.gather [hbm4b:s11+s2], $0x400, $0x38;
	[tilespmem:$0x14400] =	vst v63  }
0x20: {  	_ =	swait.ge [sflag:s3], $0x400  }
0x21: {  	[sflag:s3] =	ssyncset.done $0x0  }
0x22: {  	s12 =	sadd.s32 $0x9400, s16;
	[sflag:s3] =	ssyncadd.s32 $0xFFFFFC00  }
0x23: {  	[tilespmem:s6], [sflag:$0x1] =	stream.indirect.gather [hbm4b:s12+s6], $0x30, s2, s6, $0xb8;
	[tilespmem:$0x14400] =	vst v63  }
0x24: {  	_ =	swait.ge [sflag:s7], $0xC000  }
0x25: {  	s23 =	sadd.s32 $0xB9400, s16;
	[sflag:s7] =	ssyncset.done $0x0  }
0x26: {  	s13 =	sadd.s32 s23, s13;
	[sflag:s7] =	ssyncadd.s32 $0xFFFF4000  }
0x27: {  	[hbm4b:s13+s2] =	stream.linear.scatter [tilespmem:s6], [sflag:$0x2], $0xC000, $0x38;
	[tilespmem:$0x14400] =	vst v63  }
0x28: {  	_ =	swait.ge [sflag:s3], $0xC000  }
0x29: {  	[sflag:s3] =	ssyncset.done $0x0  }
0x2a: {  	s15 =	simm.s32 $0xC400;
	s14 =	sadd.s32 $0x39400, s16;
	[sflag:s3] =	ssyncadd.s32 $0xFFFF4000  }
0x2b: {  	[tilespmem:s15], [sflag:$0x1] =	stream.indirect.gather [hbm4b:s14+s6], $0x20, s2, s6, $0xb8;
	[tilespmem:$0x14400] =	vst v63  }
0x2c: {  	_ =	swait.ge [sflag:s7], $0x8000  }
0x2d: {  	s24 =	sadd.s32 $0x119400, s16;
	s28 =	sshll.u32 s17, $0x2;
	[sflag:s7] =	ssyncset.done $0x0  }
0x2e: {  	s16 =	sadd.s32 s24, s28;
	[sflag:s7] =	ssyncadd.s32 $0xFFFF8000  }
0x2f: {  	[hbm4b:s16+s2] =	stream.linear.scatter [tilespmem:s15], [sflag:$0x2], $0x8000, $0x38;
	[tilespmem:$0x14400] =	vst v63  }
0x30: {  	_ =	swait.ge [sflag:s3], $0x8000  }
0x31: {  	[sflag:s3] =	ssyncset.done $0x0  }
0x32: {  	s17 =	sadd.s32 s22, s18;
	[sflag:s3] =	ssyncadd.s32 $0xFFFF8000  }
0x33: {  	[tilespmem:s2], [sflag:$0x2] =	stream.linear.gather [hbm4b:s17+s2], $0x400, $0x38;
	[tilespmem:$0x14400] =	vst v63  }
0x34: {  	_ =	swait.ge [sflag:s3], $0x400  }
0x35: {  	[sflag:s3] =	ssyncset.done $0x0  }
0x36: {  	[sflag:s3] =	ssyncadd.s32 $0xFFFFFC00  }
0x37: {  	[tilespmem:s6], [sflag:$0x1] =	stream.indirect.gather [hbm4b:s12+s6], $0x30, s2, s6, $0xb8;
	[tilespmem:$0x14400] =	vst v63  }
0x38: {  	_ =	swait.ge [sflag:s7], $0xC000  }
0x39: {  	[sflag:s7] =	ssyncset.done $0x0  }
0x3a: {  	s19 =	ssub.s32 $0x2, s19;
	s18 =	sadd.s32 s23, s21;
	[sflag:s7] =	ssyncadd.s32 $0xFFFF4000  }
0x3b: {  	[hbm4b:s18+s2] =	stream.linear.scatter [tilespmem:s6], [sflag:$0x2], $0xC000, $0x38;
	[tilespmem:$0x14400] =	vst v63  }
0x3c: {  	s29 =	sshrl.u32 s19, $0x1;
	_ =	swait.ge [sflag:s3], $0xC000  }
0x3d: {  	s21 =	ssub.s32 s19, s29;
	[sflag:s3] =	ssyncset.done $0x0  }
0x3e: {  	s31 =	smax.u32 s21, $0x1;
	[sflag:s3] =	ssyncadd.s32 $0xFFFF4000  }
0x3f: {  	[tilespmem:s15], [sflag:$0x1] =	stream.indirect.gather [hbm4b:s14+s6], $0x20, s2, s6, $0xb8;
	[tilespmem:$0x14400] =	vst v63  }
0x40: {  	p0 =	sne.s32 s31, $0x1;
	_ =	swait.ge [sflag:s7], $0x8000  }
.Ltmp0:
0x41: {  	s30 =	sshll.u32 s20, $0x2;
	[sflag:s7] =	ssyncset.done $0x0;
	(pc) =	sbr.rel @!p0 .LBB2_2-.Ltmp0, $4  }
0x42: {  	s19 =	sadd.s32 s24, s30;
	[sflag:s7] =	ssyncadd.s32 $0xFFFF8000  }
0x43: {  	[hbm4b:s19+s2] =	stream.linear.scatter [tilespmem:s15], [sflag:$0x2], $0x8000, $0x38;
	[tilespmem:$0x14400] =	vst v63  }
0x44: {  	_ =	swait.ge [sflag:s3], $0x8000  }
0x45: {  	s20 =	sadd.s32 $0xFFFFFFFF, s31;
	[sflag:s3] =	ssyncset.done $0x0  }
.LBB2_1:
0x46: {  	p0 =	sne.s32 s20, $0x1;
	s20 =	sadd.s32 $0xFFFFFFFF, s20;
	[sflag:s3] =	ssyncadd.s32 $0xFFFF8000  }
0x47: {  	[tilespmem:s2], [sflag:$0x2] =	stream.linear.gather [hbm4b:s4+s2], $0x400, $0x38;
	[tilespmem:$0x14400] =	vst v63  }
0x48: {  	_ =	swait.ge [sflag:s3], $0x400  }
0x49: {  	[sflag:s3] =	ssyncset.done $0x0  }
0x4a: {  	[sflag:s3] =	ssyncadd.s32 $0xFFFFFC00  }
0x4b: {  	[tilespmem:s6], [sflag:$0x1] =	stream.indirect.gather [hbm4b:s5+s6], $0x30, s2, s6, $0xb8;
	[tilespmem:$0x14400] =	vst v63  }
0x4c: {  	_ =	swait.ge [sflag:s7], $0xC000  }
0x4d: {  	[sflag:s7] =	ssyncset.done $0x0  }
0x4e: {  	[sflag:s7] =	ssyncadd.s32 $0xFFFF4000  }
0x4f: {  	[hbm4b:s8+s2] =	stream.linear.scatter [tilespmem:s6], [sflag:$0x2], $0xC000, $0x38;
	[tilespmem:$0x14400] =	vst v63  }
0x50: {  	_ =	swait.ge [sflag:s3], $0xC000  }
0x51: {  	[sflag:s3] =	ssyncset.done $0x0  }
0x52: {  	[sflag:s3] =	ssyncadd.s32 $0xFFFF4000  }
0x53: {  	[tilespmem:s2], [sflag:$0x2] =	stream.linear.gather [hbm4b:s9+s2], $0x400, $0x38;
	[tilespmem:$0x14400] =	vst v63  }
0x54: {  	_ =	swait.ge [sflag:s3], $0x400  }
0x55: {  	[sflag:s3] =	ssyncset.done $0x0  }
0x56: {  	[sflag:s3] =	ssyncadd.s32 $0xFFFFFC00  }
0x57: {  	[tilespmem:s6], [sflag:$0x1] =	stream.indirect.gather [hbm4b:s5+s6], $0x30, s2, s6, $0xb8;
	[tilespmem:$0x14400] =	vst v63  }
0x58: {  	_ =	swait.ge [sflag:s7], $0xC000  }
0x59: {  	[sflag:s7] =	ssyncset.done $0x0  }
0x5a: {  	[sflag:s7] =	ssyncadd.s32 $0xFFFF4000  }
0x5b: {  	[hbm4b:s10+s2] =	stream.linear.scatter [tilespmem:s6], [sflag:$0x2], $0xC000, $0x38;
	[tilespmem:$0x14400] =	vst v63  }
0x5c: {  	_ =	swait.ge [sflag:s3], $0xC000  }
0x5d: {  	[sflag:s3] =	ssyncset.done $0x0  }
0x5e: {  	[sflag:s3] =	ssyncadd.s32 $0xFFFF4000  }
0x5f: {  	[tilespmem:s2], [sflag:$0x2] =	stream.linear.gather [hbm4b:s11+s2], $0x400, $0x38;
	[tilespmem:$0x14400] =	vst v63  }
0x60: {  	_ =	swait.ge [sflag:s3], $0x400  }
0x61: {  	[sflag:s3] =	ssyncset.done $0x0  }
0x62: {  	[sflag:s3] =	ssyncadd.s32 $0xFFFFFC00  }
0x63: {  	[tilespmem:s6], [sflag:$0x1] =	stream.indirect.gather [hbm4b:s12+s6], $0x30, s2, s6, $0xb8;
	[tilespmem:$0x14400] =	vst v63  }
0x64: {  	_ =	swait.ge [sflag:s7], $0xC000  }
0x65: {  	[sflag:s7] =	ssyncset.done $0x0  }
0x66: {  	[sflag:s7] =	ssyncadd.s32 $0xFFFF4000  }
0x67: {  	[hbm4b:s13+s2] =	stream.linear.scatter [tilespmem:s6], [sflag:$0x2], $0xC000, $0x38;
	[tilespmem:$0x14400] =	vst v63  }
0x68: {  	_ =	swait.ge [sflag:s3], $0xC000  }
0x69: {  	[sflag:s3] =	ssyncset.done $0x0  }
0x6a: {  	[sflag:s3] =	ssyncadd.s32 $0xFFFF4000  }
0x6b: {  	[tilespmem:s15], [sflag:$0x1] =	stream.indirect.gather [hbm4b:s14+s6], $0x20, s2, s6, $0xb8;
	[tilespmem:$0x14400] =	vst v63  }
0x6c: {  	_ =	swait.ge [sflag:s7], $0x8000  }
0x6d: {  	[sflag:s7] =	ssyncset.done $0x0  }
0x6e: {  	[sflag:s7] =	ssyncadd.s32 $0xFFFF8000  }
0x6f: {  	[hbm4b:s16+s2] =	stream.linear.scatter [tilespmem:s15], [sflag:$0x2], $0x8000, $0x38;
	[tilespmem:$0x14400] =	vst v63  }
0x70: {  	_ =	swait.ge [sflag:s3], $0x8000  }
0x71: {  	[sflag:s3] =	ssyncset.done $0x0  }
0x72: {  	[sflag:s3] =	ssyncadd.s32 $0xFFFF8000  }
0x73: {  	[tilespmem:s2], [sflag:$0x2] =	stream.linear.gather [hbm4b:s17+s2], $0x400, $0x38;
	[tilespmem:$0x14400] =	vst v63  }
0x74: {  	_ =	swait.ge [sflag:s3], $0x400  }
0x75: {  	[sflag:s3] =	ssyncset.done $0x0  }
0x76: {  	[sflag:s3] =	ssyncadd.s32 $0xFFFFFC00  }
0x77: {  	[tilespmem:s6], [sflag:$0x1] =	stream.indirect.gather [hbm4b:s12+s6], $0x30, s2, s6, $0xb8;
	[tilespmem:$0x14400] =	vst v63  }
0x78: {  	_ =	swait.ge [sflag:s7], $0xC000  }
0x79: {  	[sflag:s7] =	ssyncset.done $0x0  }
0x7a: {  	[sflag:s7] =	ssyncadd.s32 $0xFFFF4000  }
0x7b: {  	[hbm4b:s18+s2] =	stream.linear.scatter [tilespmem:s6], [sflag:$0x2], $0xC000, $0x38;
	[tilespmem:$0x14400] =	vst v63  }
0x7c: {  	_ =	swait.ge [sflag:s3], $0xC000  }
0x7d: {  	[sflag:s3] =	ssyncset.done $0x0  }
0x7e: {  	[sflag:s3] =	ssyncadd.s32 $0xFFFF4000  }
0x7f: {  	[tilespmem:s15], [sflag:$0x1] =	stream.indirect.gather [hbm4b:s14+s6], $0x20, s2, s6, $0xb8;
	[tilespmem:$0x14400] =	vst v63  }
0x80: {  	_ =	swait.ge [sflag:s7], $0x8000  }
.Ltmp1:
0x81: {  	[sflag:s7] =	ssyncset.done $0x0;
	(pc) =	sbr.rel @p0 .LBB2_1-.Ltmp1, $4  }
0x82: {  	[sflag:s7] =	ssyncadd.s32 $0xFFFF8000  }
0x83: {  	[hbm4b:s19+s2] =	stream.linear.scatter [tilespmem:s15], [sflag:$0x2], $0x8000, $0x38;
	[tilespmem:$0x14400] =	vst v63  }
0x84: {  	_ =	swait.ge [sflag:s3], $0x8000  }
0x85: {  	[sflag:s3] =	ssyncset.done $0x0  }
.LBB2_2:
0x86: {  	[sflag:s3] =	ssyncadd.s32 $0xFFFF8000  }
0x87: {  	_ =	sfence.sel $0x180000  }
0x88: {  	[bflag:$0x0] =	sbarrier.arrive $0xFFFF  }
0x89: {  	p0 =	sne.s32 s0, $0x0;
	_ =	strace $0x9000004A  }
0x8a: {  	s0 =	sadd.s32 @!p0 $0x100000, s1;
	[bflag:$0x2] =	sbarrier.arrive $0xFFFF  }
0x8b: {  	[sflag:s0] =	ssyncadd.tile.s32 @!p0 $0x1;
	_ =	shalt  }
.Lfunc_end2:
_tile_overlayer_lowered:
.L_overlay_start_2:
0x8c: {  	(tag) =	ssettag $0x2  }
0x8d: {  	s0 =	rddreg [dreg:$0x0];
	s2 =	stileid.u32  }
0x8e: {  	s1 =	rddreg [dreg:$0x1];
	p0 =	sne.s32 s2, $0x0  }
0x8f: {  	s3 =	rddreg [dreg:$0x2];
	[bflag:$0x3] =	sbarrier.arrive $0xFFFF;
	s2 =	simm.s32 @!p0 $0x1C02  }
0x90: {  	[timem:s3], [sflag:s2] =	dma.local @!p0 [hbm:s0], s1  }
0x91: {  	s0 =	simm.s32 @!p0 $0x2  }
0x92: {  	_ =	swait.ge @!p0 [sflag:s0], s1  }
0x93: {  	s1 =	ssub.s32 @!p0 $0x0, s1;
	[sflag:s0] =	ssyncset.done @!p0 $0x0  }
0x94: {  	[sflag:s0] =	ssyncadd.s32 @!p0 s1  }
0x95: {  	[bflag:$0x3] =	sbarrier.arrive $0xFFFF  }
0x96: {  	_ =	shalt  }

</sc_bundles>
